<compile_context>
chip_gen: v7x
topology: tpu7x:2x2x1
jax: 0.10.2.dev20260603
libtpu: 0.0.44.dev20260713+nightly
codegen_flags: <defaults>
</compile_context>

<pallas_src>
import functools

import jax
import jax.numpy as jnp
import numpy as np
from jax import lax
from jax.experimental import pallas as pl
from jax.experimental.pallas import tpu as pltpu
from jax.experimental.pallas import tpu_sc as plsc

N = 10000
C = 128
CH = C // 2
E = 320000
NP = 10240
NC = 2
NS = 16
NT = NC * NS
K = 128
NB = 160
EP = NS * NB * K
ZB = 64
STR = NP // NS
RB = 1280
DR = NP // RB

_mesh = plsc.VectorSubcoreMesh(core_axis_name="c", subcore_axis_name="s")

_EPAD = np.tile((N + (np.arange(EP - E, dtype=np.int32) % (NP - N)))[None, :],
                (2, 1))


NBD = NB // NC



@functools.partial(
    pl.kernel,
    mesh=_mesh,
    compiler_params=pltpu.CompilerParams(use_tc_tiling_on_sc=False),
    out_type=jax.ShapeDtypeStruct((2 * DR, 1, RB), jnp.float32),
    scratch_types=[
        pltpu.VMEM((NBD, K), jnp.int32),
        pltpu.VMEM((K,), jnp.float32),
        pltpu.VMEM((STR,), jnp.float32),
        pltpu.VMEM_SHARED((NP,), jnp.float32),
    ],
)
def _deg_kernel(tar_hbm, out_hbm, tidx_v, ones_v, zer_v, deg_sp):
    c = lax.axis_index("c")
    s = lax.axis_index("s")

    def zf(i, carry):
        zer_v[pl.ds(i * 16, 16)] = jnp.zeros((16,), jnp.float32)
        return carry

    lax.fori_loop(0, STR // 16, zf, 0)

    def of(i, carry):
        ones_v[pl.ds(i * 16, 16)] = jnp.ones((16,), jnp.float32)
        return carry

    lax.fori_loop(0, K // 16, of, 0)

    pltpu.sync_copy(zer_v, deg_sp.at[pl.ds(s * STR, STR)])
    pltpu.sync_copy(tar_hbm.at[s, pl.ds(c * NBD, NBD)], tidx_v)
    plsc.subcore_barrier()

    def body(j, carry):
        pltpu.sync_copy(ones_v, deg_sp.at[tidx_v.at[j]], add=True)
        return carry

    lax.fori_loop(0, NBD, body, 0)
    plsc.subcore_barrier()
    pltpu.sync_copy(deg_sp.at[pl.ds(s * STR, STR)],
                    out_hbm.at[c * DR + s // 2, 0, pl.ds((s % 2) * STR, STR)])



@functools.partial(
    pl.kernel,
    mesh=_mesh,
    compiler_params=pltpu.CompilerParams(use_tc_tiling_on_sc=False),
    out_type=jax.ShapeDtypeStruct((NP, C), jnp.bfloat16),
    scratch_types=[
        pltpu.VMEM((NB, K), jnp.int32),
        pltpu.VMEM((NB, K), jnp.int32),
        pltpu.VMEM((K, CH), jnp.bfloat16),
        pltpu.VMEM((K, CH), jnp.bfloat16),
        pltpu.VMEM((K, CH), jnp.bfloat16),
        pltpu.VMEM((K, CH), jnp.bfloat16),
        pltpu.VMEM((K, CH), jnp.bfloat16),
        pltpu.VMEM((K, CH), jnp.bfloat16),
        pltpu.VMEM((K, CH), jnp.bfloat16),
        pltpu.VMEM((K, CH), jnp.bfloat16),
        pltpu.VMEM_SHARED((NP, CH), jnp.bfloat16),
        pltpu.SemaphoreType.DMA,
        pltpu.SemaphoreType.DMA,
        pltpu.SemaphoreType.DMA,
        pltpu.SemaphoreType.DMA,
        pltpu.SemaphoreType.DMA,
        pltpu.SemaphoreType.DMA,
        pltpu.SemaphoreType.DMA,
        pltpu.SemaphoreType.DMA,
    ],
)
def _agg_kernel(src_hbm, tar_hbm, g_hbm, out_hbm,
                sidx_v, tidx_v, rows0_v, rows1_v, rows2_v, rows3_v,
                rows4_v, rows5_v, rows6_v, rows7_v, acc_sp,
                sem0, sem1, sem2, sem3, sem4, sem5, sem6, sem7):
    c = lax.axis_index("c")
    s = lax.axis_index("s")

    pltpu.sync_copy(g_hbm.at[c, pl.ds(s * STR, STR)],
                    acc_sp.at[pl.ds(s * STR, STR)])
    pltpu.sync_copy(src_hbm.at[s], sidx_v)
    pltpu.sync_copy(tar_hbm.at[s], tidx_v)
    plsc.subcore_barrier()

    ga = g_hbm.at[c]
    bufs = [(rows0_v, sem0), (rows1_v, sem1), (rows2_v, sem2),
            (rows3_v, sem3), (rows4_v, sem4), (rows5_v, sem5),
            (rows6_v, sem6), (rows7_v, sem7)]
    for b, (rv, sm) in enumerate(bufs):
        pltpu.async_copy(ga.at[sidx_v.at[b]], rv, sm)

    NR = len(bufs)

    def body(m, carry):
        j = NR * m
        for b, (rv, sm) in enumerate(bufs):
            pltpu.make_async_copy(ga.at[sidx_v.at[j + b]], rv, sm).wait()
            pltpu.sync_copy(rv, acc_sp.at[tidx_v.at[j + b]], add=True)
            pltpu.async_copy(ga.at[sidx_v.at[j + b + NR]], rv, sm)
        return carry

    lax.fori_loop(0, NB // NR - 1, body, 0)

    j = NB - NR
    for b, (rv, sm) in enumerate(bufs):
        pltpu.make_async_copy(ga.at[sidx_v.at[j + b]], rv, sm).wait()
        pltpu.sync_copy(rv, acc_sp.at[tidx_v.at[j + b]], add=True)
    plsc.subcore_barrier()

    pltpu.sync_copy(acc_sp.at[pl.ds(s * STR, STR)],
                    out_hbm.at[pl.ds(s * STR, STR), pl.ds(c * CH, CH)])



def _g_body(dpa_ref, dpb_ref, x_ref, w_ref, b_ref, g_ref, d_ref):
    h = jnp.dot(x_ref[...], w_ref[...],
                preferred_element_type=jnp.float32) + b_ref[...]
    deg = dpa_ref[0, 0, :] + dpb_ref[0, 0, :] + 1.0
    dinv = lax.rsqrt(deg)
    g = (dinv[:, None] * h).astype(jnp.bfloat16)
    g_ref[0, :, :] = g[:, :CH]
    g_ref[1, :, :] = g[:, CH:]
    d_ref[...] = dinv[:, None]


_g_call = pl.pallas_call(
    _g_body,
    grid=(NP // RB,),
    in_specs=[
        pl.BlockSpec((1, 1, RB), lambda i: (i, 0, 0)),
        pl.BlockSpec((1, 1, RB), lambda i: (i + DR, 0, 0)),
        pl.BlockSpec((RB, C), lambda i: (i, 0)),
        pl.BlockSpec((C, C), lambda i: (0, 0)),
        pl.BlockSpec((1, C), lambda i: (0, 0)),
    ],
    out_specs=[
        pl.BlockSpec((2, RB, CH), lambda i: (0, i, 0)),
        pl.BlockSpec((RB, 1), lambda i: (i, 0)),
    ],
    out_shape=[
        jax.ShapeDtypeStruct((NC, NP, CH), jnp.bfloat16),
        jax.ShapeDtypeStruct((NP, 1), jnp.float32),
    ],
)



def _fin_body(d_ref, a_ref, o_ref):
    o_ref[...] = d_ref[...] * a_ref[...].astype(jnp.float32)


RF = 2000

_fin_call = pl.pallas_call(
    _fin_body,
    grid=(N // RF,),
    in_specs=[
        pl.BlockSpec((RF, 1), lambda i: (i, 0)),
        pl.BlockSpec((RF, C), lambda i: (i, 0)),
    ],
    out_specs=pl.BlockSpec((RF, C), lambda i: (i, 0)),
    out_shape=jax.ShapeDtypeStruct((N, C), jnp.float32),
)


def kernel(x, edge_index, W, b):
    ei = jnp.concatenate([edge_index, jnp.asarray(_EPAD)], axis=1)
    tar_r = ei[0].reshape(NS, NB, K)
    src_r = ei[1].reshape(NS, NB, K)

    degp = _deg_kernel(tar_r)
    g2, dcol = _g_call(degp, degp, x, W, b.reshape(1, C))
    acc = _agg_kernel(src_r, tar_r, g2)
    return _fin_call(dcol, acc)

# --- scband reference (transcript-rebuilt; emitter-appended) ---
"""Pipeline reference for scband-gar-gcnconv-52871047413952 (READ-ONLY COPY).

The authoritative reference and input builder live on the scoring server;
editing this copy changes nothing except your own understanding.
"""

import jax, jax.numpy as jnp
import numpy as np

IN_CHANNELS = 128
OUT_CHANNELS = 128
NUM_NODES = 10000
NUM_EDGES = 320000


def setup_inputs(seed: int = 0) -> dict:
    key = jax.random.key(seed)
    k1, k2, k3, k4 = jax.random.split(key, 4)
    x = jax.random.normal(k1, (NUM_NODES, IN_CHANNELS), dtype=jnp.float32)
    # int32 used in jax to avoid requiring x64 mode; values in [0, NUM_NODES)
    edge_index = jax.random.randint(k2, (2, NUM_EDGES), 0, NUM_NODES, dtype=jnp.int32)
    # nn.Linear params: weight [out, in] applied as x @ W.T + b; store pre-transposed
    W = jax.random.normal(k3, (IN_CHANNELS, OUT_CHANNELS), dtype=jnp.float32) * (1.0 / np.sqrt(IN_CHANNELS))
    b = (jax.random.uniform(k4, (OUT_CHANNELS,), dtype=jnp.float32) - 0.5) * (2.0 / np.sqrt(IN_CHANNELS))
    return {"x": x, "edge_index": edge_index, "W": W, "b": b}


def reference(x, edge_index, W, b):
    # x = self.dense(x)
    h = x @ W + b
    num_nodes = x.shape[0]
    # flow='target_to_source': tid=0, sid=1
    tar = edge_index[0]
    src = edge_index[1]
    # gcn_gar_edge_weight: symmetric GCN normalization with implicit self-loops
    ones = jnp.ones((tar.shape[0],), dtype=h.dtype)
    deg = jax.ops.segment_sum(ones, tar, num_segments=num_nodes) + 1.0
    dinv = jax.lax.rsqrt(deg)
    edge_w = dinv[src] * dinv[tar]          # D^{-1/2} A D^{-1/2}
    self_w = 1.0 / deg                       # self-loop weight
    # fused_gar_agg: gather from src, weight, scatter-add into tar, plus self term
    msg = h[src] * edge_w[:, None]
    agg = jax.ops.segment_sum(msg, tar, num_segments=num_nodes)
    out = agg + self_w[:, None] * h
    return out

if __name__ == "__main__":
    import jax
    _d = setup_inputs()
    print(jax.jit(kernel)(*tuple(_d.values())))

</pallas_src>

<mosaic_0001>
#map = affine_map<(d0, d1) -> (0, 0, 0)>
module attributes {stable_mosaic.version = 14 : i64} {
  func.func @_deg_kernel(%arg0: i32, %arg1: i32, %arg2: memref<16x160x128xi32, #tpu.memory_space<hbm>>, %arg3: memref<16x1x1280xf32, #tpu.memory_space<hbm>>, %arg4: memref<80x128xi32, #tpu.memory_space<vmem>>, %arg5: memref<128xf32, #tpu.memory_space<vmem>>, %arg6: memref<640xf32, #tpu.memory_space<vmem>>, %arg7: memref<10240xf32, #tpu.memory_space<vmem_shared>>) attributes {dimension_semantics = [#tpu.dimension_semantics<core_parallel>, #tpu.dimension_semantics<subcore_parallel>], iteration_bounds = array<i64: 2, 16>, scalar_prefetch = 0 : i64, scratch_operands = 4 : i64, tpu.core_type = #tpu.core_type<sc_vector_subcore>, window_params = [{transform_indices = #map}, {transform_indices = #map}]} {
    %scan3A = arith.constant 0 : i32
    %scan3A_0 = arith.constant 0 : i32
    %scan3A_1 = arith.constant 40 : i32
    %scan3A_2 = arith.addi %scan3A_0, %scan3A_1 : i32
    %scan3A_3 = arith.constant 1 : i32
    scf.for %scan3A_57 = %scan3A_0 to %scan3A_2 step %scan3A_3  : i32 {
      %broadcast_in_dim3A = arith.constant 0.000000e+00 : f32
      %broadcast_in_dim3A_58 = vector.broadcast %broadcast_in_dim3A : f32 to vector<16xf32>
      %mul3A_59 = arith.constant 16 : i32
      %mul3A_60 = arith.muli %scan3A_57, %mul3A_59 : i32
      %swap3A = arith.index_cast %mul3A_60 : i32 to index
      %swap3A_61 = tpu.vector_load %arg6[%swap3A] {strides = array<i32>} : memref<640xf32, #tpu.memory_space<vmem>>, vector<16xf32>,
      %swap3A_62 = vector.shape_cast %swap3A_61 : vector<16xf32> to vector<16xf32>
      %swap3A_63 = vector.shape_cast %broadcast_in_dim3A_58 : vector<16xf32> to vector<16xf32>
      tpu.vector_store %arg6[%swap3A], %swap3A_63 {strides = array<i32>} : memref<640xf32, #tpu.memory_space<vmem>>, vector<16xf32>,
    }
    %scan3A_4 = arith.constant 40 : i32
    %scan3A_5 = arith.constant 0 : i32
    %scan3A_6 = arith.constant 0 : i32
    %scan3A_7 = arith.constant 8 : i32
    %scan3A_8 = arith.addi %scan3A_6, %scan3A_7 : i32
    %scan3A_9 = arith.constant 1 : i32
    scf.for %scan3A_57 = %scan3A_6 to %scan3A_8 step %scan3A_9  : i32 {
      %broadcast_in_dim3A = arith.constant 1.000000e+00 : f32
      %broadcast_in_dim3A_58 = vector.broadcast %broadcast_in_dim3A : f32 to vector<16xf32>
      %mul3A_59 = arith.constant 16 : i32
      %mul3A_60 = arith.muli %scan3A_57, %mul3A_59 : i32
      %swap3A = arith.index_cast %mul3A_60 : i32 to index
      %swap3A_61 = tpu.vector_load %arg5[%swap3A] {strides = array<i32>} : memref<128xf32, #tpu.memory_space<vmem>>, vector<16xf32>,
      %swap3A_62 = vector.shape_cast %swap3A_61 : vector<16xf32> to vector<16xf32>
      %swap3A_63 = vector.shape_cast %broadcast_in_dim3A_58 : vector<16xf32> to vector<16xf32>
      tpu.vector_store %arg5[%swap3A], %swap3A_63 {strides = array<i32>} : memref<128xf32, #tpu.memory_space<vmem>>, vector<16xf32>,
    }
    %scan3A_10 = arith.constant 8 : i32
    %mul3A = arith.constant 640 : i32
    %mul3A_11 = arith.muli %arg1, %mul3A : i32
    "tpu.region"() ({
      %run_scoped3A_57 = tpu.sem_alloc : memref<!tpu.dma_semaphore, #tpu.memory_space<semaphore_mem>>
      %dma_start3A = tpu.memref_slice %arg7[%mul3A_11] : memref<10240xf32, #tpu.memory_space<vmem_shared>> -> memref<640xf32, #tpu.memory_space<vmem_shared>>
      %dma_start3A_58 = tpu.memref_slice %arg7[%mul3A_11] : memref<10240xf32, #tpu.memory_space<vmem_shared>> -> memref<640xf32, #tpu.memory_space<vmem_shared>>
      tpu.enqueue_dma source(%arg6 : memref<640xf32, #tpu.memory_space<vmem>>) target(%dma_start3A_58 : memref<640xf32, #tpu.memory_space<vmem_shared>>) target_semaphore(%run_scoped3A_57 : memref<!tpu.dma_semaphore, #tpu.memory_space<semaphore_mem>>)
      %dma_wait3A = tpu.memref_slice %arg7[%mul3A_11] : memref<10240xf32, #tpu.memory_space<vmem_shared>> -> memref<640xf32, #tpu.memory_space<vmem_shared>>
      %dma_wait3A_59 = tpu.memref_slice %arg7[%mul3A_11] : memref<10240xf32, #tpu.memory_space<vmem_shared>> -> memref<640xf32, #tpu.memory_space<vmem_shared>>
      tpu.wait_dma2 semaphore(%run_scoped3A_57 : memref<!tpu.dma_semaphore, #tpu.memory_space<semaphore_mem>>) src(%arg6 : memref<640xf32, #tpu.memory_space<vmem>>) dst(%dma_wait3A_59 : memref<640xf32, #tpu.memory_space<vmem_shared>>)
      tpu.yield
    }) : () -> ()
    %mul3A_12 = arith.constant 80 : i32
    %mul3A_13 = arith.muli %arg0, %mul3A_12 : i32
    "tpu.region"() ({
      %run_scoped3A_57 = tpu.sem_alloc : memref<!tpu.dma_semaphore, #tpu.memory_space<semaphore_mem>>
      %dma_start3A = arith.constant 0 : i32
      %dma_start3A_58 = tpu.memref_slice %arg2[%arg1, %mul3A_13, %dma_start3A] : memref<16x160x128xi32, #tpu.memory_space<hbm>> -> memref<1x80x128xi32, #tpu.memory_space<hbm>>
      %dma_start3A_59 = tpu.memref_squeeze %dma_start3A_58 : memref<1x80x128xi32, #tpu.memory_space<hbm>> -> memref<80x128xi32, #tpu.memory_space<hbm>>
      %dma_start3A_60 = arith.constant 0 : i32
      %dma_start3A_61 = tpu.memref_slice %arg2[%arg1, %mul3A_13, %dma_start3A_60] : memref<16x160x128xi32, #tpu.memory_space<hbm>> -> memref<1x80x128xi32, #tpu.memory_space<hbm>>
      %dma_start3A_62 = tpu.memref_squeeze %dma_start3A_61 : memref<1x80x128xi32, #tpu.memory_space<hbm>> -> memref<80x128xi32, #tpu.memory_space<hbm>>
      tpu.enqueue_dma source(%dma_start3A_62 : memref<80x128xi32, #tpu.memory_space<hbm>>) target(%arg4 : memref<80x128xi32, #tpu.memory_space<vmem>>) target_semaphore(%run_scoped3A_57 : memref<!tpu.dma_semaphore, #tpu.memory_space<semaphore_mem>>)
      %dma_wait3A = arith.constant 0 : i32
      %dma_wait3A_63 = tpu.memref_slice %arg2[%arg1, %mul3A_13, %dma_wait3A] : memref<16x160x128xi32, #tpu.memory_space<hbm>> -> memref<1x80x128xi32, #tpu.memory_space<hbm>>
      %dma_wait3A_64 = tpu.memref_squeeze %dma_wait3A_63 : memref<1x80x128xi32, #tpu.memory_space<hbm>> -> memref<80x128xi32, #tpu.memory_space<hbm>>
      %dma_wait3A_65 = arith.constant 0 : i32
      %dma_wait3A_66 = tpu.memref_slice %arg2[%arg1, %mul3A_13, %dma_wait3A_65] : memref<16x160x128xi32, #tpu.memory_space<hbm>> -> memref<1x80x128xi32, #tpu.memory_space<hbm>>
      %dma_wait3A_67 = tpu.memref_squeeze %dma_wait3A_66 : memref<1x80x128xi32, #tpu.memory_space<hbm>> -> memref<80x128xi32, #tpu.memory_space<hbm>>
      tpu.wait_dma2 semaphore(%run_scoped3A_57 : memref<!tpu.dma_semaphore, #tpu.memory_space<semaphore_mem>>) src(%dma_wait3A_67 : memref<80x128xi32, #tpu.memory_space<hbm>>) dst(%arg4 : memref<80x128xi32, #tpu.memory_space<vmem>>)
      tpu.yield
    }) : () -> ()
    %barrier3A = arith.constant 0 : index
    tpu.barrier barrier_id(%barrier3A)
    %scan3A_14 = arith.constant 0 : i32
    %scan3A_15 = arith.constant 0 : i32
    %scan3A_16 = arith.constant 80 : i32
    %scan3A_17 = arith.addi %scan3A_15, %scan3A_16 : i32
    %scan3A_18 = arith.constant 1 : i32
    scf.for %scan3A_57 = %scan3A_15 to %scan3A_17 step %scan3A_18  : i32 {
      "tpu.region"() ({
        %run_scoped3A_58 = tpu.sem_alloc : memref<!tpu.dma_semaphore, #tpu.memory_space<semaphore_mem>>
        %dma_start3A = arith.constant 0 : i32
        %dma_start3A_59 = tpu.memref_slice %arg4[%scan3A_57, %dma_start3A] : memref<80x128xi32, #tpu.memory_space<vmem>> -> memref<1x128xi32, #tpu.memory_space<vmem>>
        %dma_start3A_60 = tpu.memref_squeeze %dma_start3A_59 : memref<1x128xi32, #tpu.memory_space<vmem>> -> memref<128xi32, #tpu.memory_space<vmem>>
        %dma_start3A_61 = arith.constant 0 : i32
        %dma_start3A_62 = tpu.memref_slice %arg7[%dma_start3A_61] : memref<10240xf32, #tpu.memory_space<vmem_shared>> -> memref<10240xf32, #tpu.memory_space<vmem_shared>>
        tpu.enqueue_indirect_dma source(%arg5 : memref<128xf32, #tpu.memory_space<vmem>>) target(%dma_start3A_62 : memref<10240xf32, #tpu.memory_space<vmem_shared>>) offsets(%dma_start3A_60 : memref<128xi32, #tpu.memory_space<vmem>>) semaphore(%run_scoped3A_58 : memref<!tpu.dma_semaphore, #tpu.memory_space<semaphore_mem>>) {add = true}
        %dma_wait3A = arith.constant 0 : i32
        %dma_wait3A_63 = tpu.memref_slice %arg4[%scan3A_57, %dma_wait3A] : memref<80x128xi32, #tpu.memory_space<vmem>> -> memref<1x128xi32, #tpu.memory_space<vmem>>
        %dma_wait3A_64 = tpu.memref_squeeze %dma_wait3A_63 : memref<1x128xi32, #tpu.memory_space<vmem>> -> memref<128xi32, #tpu.memory_space<vmem>>
        %dma_wait3A_65 = arith.constant 0 : i32
        %dma_wait3A_66 = tpu.memref_slice %arg7[%dma_wait3A_65] : memref<10240xf32, #tpu.memory_space<vmem_shared>> -> memref<10240xf32, #tpu.memory_space<vmem_shared>>
        tpu.wait_indirect_dma semaphore(%run_scoped3A_58 : memref<!tpu.dma_semaphore, #tpu.memory_space<semaphore_mem>>) src(%arg5 : memref<128xf32, #tpu.memory_space<vmem>>) dst(%dma_wait3A_66 : memref<10240xf32, #tpu.memory_space<vmem_shared>>)
        tpu.yield
      }) : () -> ()
    }
    %scan3A_19 = arith.constant 80 : i32
    %barrier3A_20 = arith.constant 0 : index
    tpu.barrier barrier_id(%barrier3A_20)
    %mul3A_21 = arith.constant 640 : i32
    %mul3A_22 = arith.muli %arg1, %mul3A_21 : i32
    %mul3A_23 = arith.constant 8 : i32
    %mul3A_24 = arith.muli %arg0, %mul3A_23 : i32
    %jit3A = arith.constant 2 : i32
    %div3A = arith.divsi %arg1, %jit3A : i32
    %sign3A = arith.constant 0 : i32
    %sign3A_25 = arith.cmpi sgt, %arg1, %sign3A : i32
    %sign3A_26 = arith.extui %sign3A_25 : i1 to i32
    %sign3A_27 = arith.constant 0 : i32
    %sign3A_28 = arith.cmpi slt, %arg1, %sign3A_27 : i32
    %sign3A_29 = arith.extui %sign3A_28 : i1 to i32
    %sign3A_30 = arith.subi %sign3A_26, %sign3A_29 : i32
    %sign3A_31 = arith.constant 0 : i32
    %sign3A_32 = arith.cmpi sgt, %jit3A, %sign3A_31 : i32
    %sign3A_33 = arith.extui %sign3A_32 : i1 to i32
    %sign3A_34 = arith.constant 0 : i32
    %sign3A_35 = arith.cmpi slt, %jit3A, %sign3A_34 : i32
    %sign3A_36 = arith.extui %sign3A_35 : i1 to i32
    %sign3A_37 = arith.subi %sign3A_33, %sign3A_36 : i32
    %ne3A = arith.cmpi ne, %sign3A_30, %sign3A_37 : i32
    %rem3A = arith.remsi %arg1, %jit3A : i32
    %ne3A_38 = arith.constant 0 : i32
    %ne3A_39 = arith.cmpi ne, %rem3A, %ne3A_38 : i32
    %and3A = arith.andi %ne3A, %ne3A_39 : i1
    %sub3A = arith.constant 1 : i32
    %sub3A_40 = arith.subi %div3A, %sub3A : i32
    %select_n3A = arith.select %and3A, %sub3A_40, %div3A : i32
    %add3A = arith.addi %mul3A_24, %select_n3A : i32
    %jit3A_41 = arith.constant 2 : i32
    %eq3A = arith.constant 0 : i32
    %eq3A_42 = arith.cmpi eq, %jit3A_41, %eq3A : i32
    %jit3A_43 = arith.constant 1 : i32
    %select_n3A_44 = arith.select %eq3A_42, %jit3A_43, %jit3A_41 : i32
    %rem3A_45 = arith.remsi %arg1, %select_n3A_44 : i32
    %ne3A_46 = arith.constant 0 : i32
    %ne3A_47 = arith.cmpi ne, %rem3A_45, %ne3A_46 : i32
    %lt3A = arith.constant 0 : i32
    %lt3A_48 = arith.cmpi slt, %rem3A_45, %lt3A : i32
    %lt3A_49 = arith.constant 0 : i32
    %lt3A_50 = arith.cmpi slt, %select_n3A_44, %lt3A_49 : i32
    %ne3A_51 = arith.xori %lt3A_48, %lt3A_50 : i1
    %and3A_52 = arith.andi %ne3A_51, %ne3A_47 : i1
    %add3A_53 = arith.addi %rem3A_45, %select_n3A_44 : i32
    %select_n3A_54 = arith.select %and3A_52, %add3A_53, %rem3A_45 : i32
    %mul3A_55 = arith.constant 640 : i32
    %mul3A_56 = arith.muli %select_n3A_54, %mul3A_55 : i32
    %run_scoped3A = arith.constant 0 : i32
    "tpu.region"() ({
      %run_scoped3A_57 = tpu.sem_alloc : memref<!tpu.dma_semaphore, #tpu.memory_space<semaphore_mem>>
      %dma_start3A = tpu.memref_slice %arg3[%add3A, %run_scoped3A, %mul3A_56] : memref<16x1x1280xf32, #tpu.memory_space<hbm>> -> memref<1x1x640xf32, #tpu.memory_space<hbm>>
      %dma_start3A_58 = tpu.memref_squeeze %dma_start3A : memref<1x1x640xf32, #tpu.memory_space<hbm>> -> memref<640xf32, #tpu.memory_space<hbm>>
      %dma_start3A_59 = tpu.memref_slice %arg7[%mul3A_22] : memref<10240xf32, #tpu.memory_space<vmem_shared>> -> memref<640xf32, #tpu.memory_space<vmem_shared>>
      tpu.enqueue_dma source(%dma_start3A_59 : memref<640xf32, #tpu.memory_space<vmem_shared>>) target(%dma_start3A_58 : memref<640xf32, #tpu.memory_space<hbm>>) target_semaphore(%run_scoped3A_57 : memref<!tpu.dma_semaphore, #tpu.memory_space<semaphore_mem>>)
      %dma_wait3A = tpu.memref_slice %arg3[%add3A, %run_scoped3A, %mul3A_56] : memref<16x1x1280xf32, #tpu.memory_space<hbm>> -> memref<1x1x640xf32, #tpu.memory_space<hbm>>
      %dma_wait3A_60 = tpu.memref_squeeze %dma_wait3A : memref<1x1x640xf32, #tpu.memory_space<hbm>> -> memref<640xf32, #tpu.memory_space<hbm>>
      %dma_wait3A_61 = tpu.memref_slice %arg7[%mul3A_22] : memref<10240xf32, #tpu.memory_space<vmem_shared>> -> memref<640xf32, #tpu.memory_space<vmem_shared>>
      tpu.wait_dma2 semaphore(%run_scoped3A_57 : memref<!tpu.dma_semaphore, #tpu.memory_space<semaphore_mem>>) src(%dma_wait3A_61 : memref<640xf32, #tpu.memory_space<vmem_shared>>) dst(%dma_wait3A_60 : memref<640xf32, #tpu.memory_space<hbm>>)
      tpu.yield
    }) : () -> ()
    return
  }
}

#map = affine_map<(d0, d1) -> (0, 0, 0)>
#map1 = affine_map<(d0, d1) -> (0, 0)>
module attributes {stable_mosaic.version = 14 : i64} {
  func.func @_agg_kernel(%arg0: i32, %arg1: i32, %arg2: memref<16x160x128xi32, #tpu.memory_space<hbm>>, %arg3: memref<16x160x128xi32, #tpu.memory_space<hbm>>, %arg4: memref<2x10240x64xbf16, #tpu.memory_space<hbm>>, %arg5: memref<10240x128xbf16, #tpu.memory_space<hbm>>, %arg6: memref<160x128xi32, #tpu.memory_space<vmem>>, %arg7: memref<160x128xi32, #tpu.memory_space<vmem>>, %arg8: memref<128x64xbf16, #tpu.memory_space<vmem>>, %arg9: memref<128x64xbf16, #tpu.memory_space<vmem>>, %arg10: memref<128x64xbf16, #tpu.memory_space<vmem>>, %arg11: memref<128x64xbf16, #tpu.memory_space<vmem>>, %arg12: memref<128x64xbf16, #tpu.memory_space<vmem>>, %arg13: memref<128x64xbf16, #tpu.memory_space<vmem>>, %arg14: memref<128x64xbf16, #tpu.memory_space<vmem>>, %arg15: memref<128x64xbf16, #tpu.memory_space<vmem>>, %arg16: memref<10240x64xbf16, #tpu.memory_space<vmem_shared>>, %arg17: memref<!tpu.dma_semaphore, #tpu.memory_space<semaphore_mem>>, %arg18: memref<!tpu.dma_semaphore, #tpu.memory_space<semaphore_mem>>, %arg19: memref<!tpu.dma_semaphore, #tpu.memory_space<semaphore_mem>>, %arg20: memref<!tpu.dma_semaphore, #tpu.memory_space<semaphore_mem>>, %arg21: memref<!tpu.dma_semaphore, #tpu.memory_space<semaphore_mem>>, %arg22: memref<!tpu.dma_semaphore, #tpu.memory_space<semaphore_mem>>, %arg23: memref<!tpu.dma_semaphore, #tpu.memory_space<semaphore_mem>>, %arg24: memref<!tpu.dma_semaphore, #tpu.memory_space<semaphore_mem>>) attributes {dimension_semantics = [#tpu.dimension_semantics<core_parallel>, #tpu.dimension_semantics<subcore_parallel>], iteration_bounds = array<i64: 2, 16>, scalar_prefetch = 0 : i64, scratch_operands = 19 : i64, tpu.core_type = #tpu.core_type<sc_vector_subcore>, window_params = [{transform_indices = #map}, {transform_indices = #map}, {transform_indices = #map}, {transform_indices = #map1}]} {
    %mul3A = arith.constant 640 : i32
    %mul3A_0 = arith.muli %arg1, %mul3A : i32
    %mul3A_1 = arith.constant 640 : i32
    %mul3A_2 = arith.muli %arg1, %mul3A_1 : i32
    "tpu.region"() ({
      %run_scoped3A_196 = tpu.sem_alloc : memref<!tpu.dma_semaphore, #tpu.memory_space<semaphore_mem>>
      %dma_start3A_197 = arith.constant 0 : i32
      %dma_start3A_198 = tpu.memref_slice %arg16[%mul3A_2, %dma_start3A_197] : memref<10240x64xbf16, #tpu.memory_space<vmem_shared>> -> memref<640x64xbf16, #tpu.memory_space<vmem_shared>>
      %dma_start3A_199 = arith.constant 0 : i32
      %dma_start3A_200 = tpu.memref_slice %arg4[%arg0, %mul3A_0, %dma_start3A_199] : memref<2x10240x64xbf16, #tpu.memory_space<hbm>> -> memref<1x640x64xbf16, #tpu.memory_space<hbm>>
      %dma_start3A_201 = tpu.memref_squeeze %dma_start3A_200 : memref<1x640x64xbf16, #tpu.memory_space<hbm>> -> memref<640x64xbf16, #tpu.memory_space<hbm>>
      tpu.enqueue_dma source(%dma_start3A_201 : memref<640x64xbf16, #tpu.memory_space<hbm>>) target(%dma_start3A_198 : memref<640x64xbf16, #tpu.memory_space<vmem_shared>>) target_semaphore(%run_scoped3A_196 : memref<!tpu.dma_semaphore, #tpu.memory_space<semaphore_mem>>)
      %dma_wait3A_202 = arith.constant 0 : i32
      %dma_wait3A_203 = tpu.memref_slice %arg16[%mul3A_2, %dma_wait3A_202] : memref<10240x64xbf16, #tpu.memory_space<vmem_shared>> -> memref<640x64xbf16, #tpu.memory_space<vmem_shared>>
      %dma_wait3A_204 = arith.constant 0 : i32
      %dma_wait3A_205 = tpu.memref_slice %arg4[%arg0, %mul3A_0, %dma_wait3A_204] : memref<2x10240x64xbf16, #tpu.memory_space<hbm>> -> memref<1x640x64xbf16, #tpu.memory_space<hbm>>
      %dma_wait3A_206 = tpu.memref_squeeze %dma_wait3A_205 : memref<1x640x64xbf16, #tpu.memory_space<hbm>> -> memref<640x64xbf16, #tpu.memory_space<hbm>>
      tpu.wait_dma2 semaphore(%run_scoped3A_196 : memref<!tpu.dma_semaphore, #tpu.memory_space<semaphore_mem>>) src(%dma_wait3A_206 : memref<640x64xbf16, #tpu.memory_space<hbm>>) dst(%dma_wait3A_203 : memref<640x64xbf16, #tpu.memory_space<vmem_shared>>)
      tpu.yield
    }) : () -> ()
    "tpu.region"() ({
      %run_scoped3A_196 = tpu.sem_alloc : memref<!tpu.dma_semaphore, #tpu.memory_space<semaphore_mem>>
      %dma_start3A_197 = arith.constant 0 : i32
      %dma_start3A_198 = arith.constant 0 : i32
      %dma_start3A_199 = tpu.memref_slice %arg2[%arg1, %dma_start3A_197, %dma_start3A_198] : memref<16x160x128xi32, #tpu.memory_space<hbm>> -> memref<1x160x128xi32, #tpu.memory_space<hbm>>
      %dma_start3A_200 = tpu.memref_squeeze %dma_start3A_199 : memref<1x160x128xi32, #tpu.memory_space<hbm>> -> memref<160x128xi32, #tpu.memory_space<hbm>>
      %dma_start3A_201 = arith.constant 0 : i32
      %dma_start3A_202 = arith.constant 0 : i32
      %dma_start3A_203 = tpu.memref_slice %arg2[%arg1, %dma_start3A_201, %dma_start3A_202] : memref<16x160x128xi32, #tpu.memory_space<hbm>> -> memref<1x160x128xi32, #tpu.memory_space<hbm>>
      %dma_start3A_204 = tpu.memref_squeeze %dma_start3A_203 : memref<1x160x128xi32, #tpu.memory_space<hbm>> -> memref<160x128xi32, #tpu.memory_space<hbm>>
      tpu.enqueue_dma source(%dma_start3A_204 : memref<160x128xi32, #tpu.memory_space<hbm>>) target(%arg6 : memref<160x128xi32, #tpu.memory_space<vmem>>) target_semaphore(%run_scoped3A_196 : memref<!tpu.dma_semaphore, #tpu.memory_space<semaphore_mem>>)
      %dma_wait3A_205 = arith.constant 0 : i32
      %dma_wait3A_206 = arith.constant 0 : i32
      %dma_wait3A_207 = tpu.memref_slice %arg2[%arg1, %dma_wait3A_205, %dma_wait3A_206] : memref<16x160x128xi32, #tpu.memory_space<hbm>> -> memref<1x160x128xi32, #tpu.memory_space<hbm>>
      %dma_wait3A_208 = tpu.memref_squeeze %dma_wait3A_207 : memref<1x160x128xi32, #tpu.memory_space<hbm>> -> memref<160x128xi32, #tpu.memory_space<hbm>>
      %dma_wait3A_209 = arith.constant 0 : i32
      %dma_wait3A_210 = arith.constant 0 : i32
      %dma_wait3A_211 = tpu.memref_slice %arg2[%arg1, %dma_wait3A_209, %dma_wait3A_210] : memref<16x160x128xi32, #tpu.memory_space<hbm>> -> memref<1x160x128xi32, #tpu.memory_space<hbm>>
      %dma_wait3A_212 = tpu.memref_squeeze %dma_wait3A_211 : memref<1x160x128xi32, #tpu.memory_space<hbm>> -> memref<160x128xi32, #tpu.memory_space<hbm>>
      tpu.wait_dma2 semaphore(%run_scoped3A_196 : memref<!tpu.dma_semaphore, #tpu.memory_space<semaphore_mem>>) src(%dma_wait3A_212 : memref<160x128xi32, #tpu.memory_space<hbm>>) dst(%arg6 : memref<160x128xi32, #tpu.memory_space<vmem>>)
      tpu.yield
    }) : () -> ()
    "tpu.region"() ({
      %run_scoped3A_196 = tpu.sem_alloc : memref<!tpu.dma_semaphore, #tpu.memory_space<semaphore_mem>>
      %dma_start3A_197 = arith.constant 0 : i32
      %dma_start3A_198 = arith.constant 0 : i32
      %dma_start3A_199 = tpu.memref_slice %arg3[%arg1, %dma_start3A_197, %dma_start3A_198] : memref<16x160x128xi32, #tpu.memory_space<hbm>> -> memref<1x160x128xi32, #tpu.memory_space<hbm>>
      %dma_start3A_200 = tpu.memref_squeeze %dma_start3A_199 : memref<1x160x128xi32, #tpu.memory_space<hbm>> -> memref<160x128xi32, #tpu.memory_space<hbm>>
      %dma_start3A_201 = arith.constant 0 : i32
      %dma_start3A_202 = arith.constant 0 : i32
      %dma_start3A_203 = tpu.memref_slice %arg3[%arg1, %dma_start3A_201, %dma_start3A_202] : memref<16x160x128xi32, #tpu.memory_space<hbm>> -> memref<1x160x128xi32, #tpu.memory_space<hbm>>
      %dma_start3A_204 = tpu.memref_squeeze %dma_start3A_203 : memref<1x160x128xi32, #tpu.memory_space<hbm>> -> memref<160x128xi32, #tpu.memory_space<hbm>>
      tpu.enqueue_dma source(%dma_start3A_204 : memref<160x128xi32, #tpu.memory_space<hbm>>) target(%arg7 : memref<160x128xi32, #tpu.memory_space<vmem>>) target_semaphore(%run_scoped3A_196 : memref<!tpu.dma_semaphore, #tpu.memory_space<semaphore_mem>>)
      %dma_wait3A_205 = arith.constant 0 : i32
      %dma_wait3A_206 = arith.constant 0 : i32
      %dma_wait3A_207 = tpu.memref_slice %arg3[%arg1, %dma_wait3A_205, %dma_wait3A_206] : memref<16x160x128xi32, #tpu.memory_space<hbm>> -> memref<1x160x128xi32, #tpu.memory_space<hbm>>
      %dma_wait3A_208 = tpu.memref_squeeze %dma_wait3A_207 : memref<1x160x128xi32, #tpu.memory_space<hbm>> -> memref<160x128xi32, #tpu.memory_space<hbm>>
      %dma_wait3A_209 = arith.constant 0 : i32
      %dma_wait3A_210 = arith.constant 0 : i32
      %dma_wait3A_211 = tpu.memref_slice %arg3[%arg1, %dma_wait3A_209, %dma_wait3A_210] : memref<16x160x128xi32, #tpu.memory_space<hbm>> -> memref<1x160x128xi32, #tpu.memory_space<hbm>>
      %dma_wait3A_212 = tpu.memref_squeeze %dma_wait3A_211 : memref<1x160x128xi32, #tpu.memory_space<hbm>> -> memref<160x128xi32, #tpu.memory_space<hbm>>
      tpu.wait_dma2 semaphore(%run_scoped3A_196 : memref<!tpu.dma_semaphore, #tpu.memory_space<semaphore_mem>>) src(%dma_wait3A_212 : memref<160x128xi32, #tpu.memory_space<hbm>>) dst(%arg7 : memref<160x128xi32, #tpu.memory_space<vmem>>)
      tpu.yield
    }) : () -> ()
    %barrier3A = arith.constant 0 : index
    tpu.barrier barrier_id(%barrier3A)
    %dma_start3A = arith.constant 0 : i32
    %dma_start3A_3 = arith.constant 0 : i32
    %dma_start3A_4 = tpu.memref_slice %arg6[%dma_start3A, %dma_start3A_3] : memref<160x128xi32, #tpu.memory_space<vmem>> -> memref<1x128xi32, #tpu.memory_space<vmem>>
    %dma_start3A_5 = tpu.memref_squeeze %dma_start3A_4 : memref<1x128xi32, #tpu.memory_space<vmem>> -> memref<128xi32, #tpu.memory_space<vmem>>
    %dma_start3A_6 = arith.constant 0 : i32
    %dma_start3A_7 = arith.constant 0 : i32
    %dma_start3A_8 = tpu.memref_slice %arg4[%arg0, %dma_start3A_6, %dma_start3A_7] : memref<2x10240x64xbf16, #tpu.memory_space<hbm>> -> memref<1x10240x64xbf16, #tpu.memory_space<hbm>>
    %dma_start3A_9 = tpu.memref_squeeze %dma_start3A_8 : memref<1x10240x64xbf16, #tpu.memory_space<hbm>> -> memref<10240x64xbf16, #tpu.memory_space<hbm>>
    %dma_start3A_10 = arith.constant 0 : i32
    %dma_start3A_11 = arith.constant 0 : i32
    %dma_start3A_12 = tpu.memref_slice %dma_start3A_9[%dma_start3A_10, %dma_start3A_11] : memref<10240x64xbf16, #tpu.memory_space<hbm>> -> memref<10240x64xbf16, #tpu.memory_space<hbm>>
    tpu.enqueue_indirect_dma source(%dma_start3A_12 : memref<10240x64xbf16, #tpu.memory_space<hbm>>) target(%arg8 : memref<128x64xbf16, #tpu.memory_space<vmem>>) offsets(%dma_start3A_5 : memref<128xi32, #tpu.memory_space<vmem>>) semaphore(%arg17 : memref<!tpu.dma_semaphore, #tpu.memory_space<semaphore_mem>>)
    %dma_start3A_13 = arith.constant 1 : i32
    %dma_start3A_14 = arith.constant 0 : i32
    %dma_start3A_15 = tpu.memref_slice %arg6[%dma_start3A_13, %dma_start3A_14] : memref<160x128xi32, #tpu.memory_space<vmem>> -> memref<1x128xi32, #tpu.memory_space<vmem>>
    %dma_start3A_16 = tpu.memref_squeeze %dma_start3A_15 : memref<1x128xi32, #tpu.memory_space<vmem>> -> memref<128xi32, #tpu.memory_space<vmem>>
    %dma_start3A_17 = arith.constant 0 : i32
    %dma_start3A_18 = arith.constant 0 : i32
    %dma_start3A_19 = tpu.memref_slice %arg4[%arg0, %dma_start3A_17, %dma_start3A_18] : memref<2x10240x64xbf16, #tpu.memory_space<hbm>> -> memref<1x10240x64xbf16, #tpu.memory_space<hbm>>
    %dma_start3A_20 = tpu.memref_squeeze %dma_start3A_19 : memref<1x10240x64xbf16, #tpu.memory_space<hbm>> -> memref<10240x64xbf16, #tpu.memory_space<hbm>>
    %dma_start3A_21 = arith.constant 0 : i32
    %dma_start3A_22 = arith.constant 0 : i32
    %dma_start3A_23 = tpu.memref_slice %dma_start3A_20[%dma_start3A_21, %dma_start3A_22] : memref<10240x64xbf16, #tpu.memory_space<hbm>> -> memref<10240x64xbf16, #tpu.memory_space<hbm>>
    tpu.enqueue_indirect_dma source(%dma_start3A_23 : memref<10240x64xbf16, #tpu.memory_space<hbm>>) target(%arg9 : memref<128x64xbf16, #tpu.memory_space<vmem>>) offsets(%dma_start3A_16 : memref<128xi32, #tpu.memory_space<vmem>>) semaphore(%arg18 : memref<!tpu.dma_semaphore, #tpu.memory_space<semaphore_mem>>)
    %dma_start3A_24 = arith.constant 2 : i32
    %dma_start3A_25 = arith.constant 0 : i32
    %dma_start3A_26 = tpu.memref_slice %arg6[%dma_start3A_24, %dma_start3A_25] : memref<160x128xi32, #tpu.memory_space<vmem>> -> memref<1x128xi32, #tpu.memory_space<vmem>>
    %dma_start3A_27 = tpu.memref_squeeze %dma_start3A_26 : memref<1x128xi32, #tpu.memory_space<vmem>> -> memref<128xi32, #tpu.memory_space<vmem>>
    %dma_start3A_28 = arith.constant 0 : i32
    %dma_start3A_29 = arith.constant 0 : i32
    %dma_start3A_30 = tpu.memref_slice %arg4[%arg0, %dma_start3A_28, %dma_start3A_29] : memref<2x10240x64xbf16, #tpu.memory_space<hbm>> -> memref<1x10240x64xbf16, #tpu.memory_space<hbm>>
    %dma_start3A_31 = tpu.memref_squeeze %dma_start3A_30 : memref<1x10240x64xbf16, #tpu.memory_space<hbm>> -> memref<10240x64xbf16, #tpu.memory_space<hbm>>
    %dma_start3A_32 = arith.constant 0 : i32
    %dma_start3A_33 = arith.constant 0 : i32
    %dma_start3A_34 = tpu.memref_slice %dma_start3A_31[%dma_start3A_32, %dma_start3A_33] : memref<10240x64xbf16, #tpu.memory_space<hbm>> -> memref<10240x64xbf16, #tpu.memory_space<hbm>>
    tpu.enqueue_indirect_dma source(%dma_start3A_34 : memref<10240x64xbf16, #tpu.memory_space<hbm>>) target(%arg10 : memref<128x64xbf16, #tpu.memory_space<vmem>>) offsets(%dma_start3A_27 : memref<128xi32, #tpu.memory_space<vmem>>) semaphore(%arg19 : memref<!tpu.dma_semaphore, #tpu.memory_space<semaphore_mem>>)
    %dma_start3A_35 = arith.constant 3 : i32
    %dma_start3A_36 = arith.constant 0 : i32
    %dma_start3A_37 = tpu.memref_slice %arg6[%dma_start3A_35, %dma_start3A_36] : memref<160x128xi32, #tpu.memory_space<vmem>> -> memref<1x128xi32, #tpu.memory_space<vmem>>
    %dma_start3A_38 = tpu.memref_squeeze %dma_start3A_37 : memref<1x128xi32, #tpu.memory_space<vmem>> -> memref<128xi32, #tpu.memory_space<vmem>>
    %dma_start3A_39 = arith.constant 0 : i32
    %dma_start3A_40 = arith.constant 0 : i32
    %dma_start3A_41 = tpu.memref_slice %arg4[%arg0, %dma_start3A_39, %dma_start3A_40] : memref<2x10240x64xbf16, #tpu.memory_space<hbm>> -> memref<1x10240x64xbf16, #tpu.memory_space<hbm>>
    %dma_start3A_42 = tpu.memref_squeeze %dma_start3A_41 : memref<1x10240x64xbf16, #tpu.memory_space<hbm>> -> memref<10240x64xbf16, #tpu.memory_space<hbm>>
    %dma_start3A_43 = arith.constant 0 : i32
    %dma_start3A_44 = arith.constant 0 : i32
    %dma_start3A_45 = tpu.memref_slice %dma_start3A_42[%dma_start3A_43, %dma_start3A_44] : memref<10240x64xbf16, #tpu.memory_space<hbm>> -> memref<10240x64xbf16, #tpu.memory_space<hbm>>
    tpu.enqueue_indirect_dma source(%dma_start3A_45 : memref<10240x64xbf16, #tpu.memory_space<hbm>>) target(%arg11 : memref<128x64xbf16, #tpu.memory_space<vmem>>) offsets(%dma_start3A_38 : memref<128xi32, #tpu.memory_space<vmem>>) semaphore(%arg20 : memref<!tpu.dma_semaphore, #tpu.memory_space<semaphore_mem>>)
    %dma_start3A_46 = arith.constant 4 : i32
    %dma_start3A_47 = arith.constant 0 : i32
    %dma_start3A_48 = tpu.memref_slice %arg6[%dma_start3A_46, %dma_start3A_47] : memref<160x128xi32, #tpu.memory_space<vmem>> -> memref<1x128xi32, #tpu.memory_space<vmem>>
    %dma_start3A_49 = tpu.memref_squeeze %dma_start3A_48 : memref<1x128xi32, #tpu.memory_space<vmem>> -> memref<128xi32, #tpu.memory_space<vmem>>
    %dma_start3A_50 = arith.constant 0 : i32
    %dma_start3A_51 = arith.constant 0 : i32
    %dma_start3A_52 = tpu.memref_slice %arg4[%arg0, %dma_start3A_50, %dma_start3A_51] : memref<2x10240x64xbf16, #tpu.memory_space<hbm>> -> memref<1x10240x64xbf16, #tpu.memory_space<hbm>>
    %dma_start3A_53 = tpu.memref_squeeze %dma_start3A_52 : memref<1x10240x64xbf16, #tpu.memory_space<hbm>> -> memref<10240x64xbf16, #tpu.memory_space<hbm>>
    %dma_start3A_54 = arith.constant 0 : i32
    %dma_start3A_55 = arith.constant 0 : i32
    %dma_start3A_56 = tpu.memref_slice %dma_start3A_53[%dma_start3A_54, %dma_start3A_55] : memref<10240x64xbf16, #tpu.memory_space<hbm>> -> memref<10240x64xbf16, #tpu.memory_space<hbm>>
    tpu.enqueue_indirect_dma source(%dma_start3A_56 : memref<10240x64xbf16, #tpu.memory_space<hbm>>) target(%arg12 : memref<128x64xbf16, #tpu.memory_space<vmem>>) offsets(%dma_start3A_49 : memref<128xi32, #tpu.memory_space<vmem>>) semaphore(%arg21 : memref<!tpu.dma_semaphore, #tpu.memory_space<semaphore_mem>>)
    %dma_start3A_57 = arith.constant 5 : i32
    %dma_start3A_58 = arith.constant 0 : i32
    %dma_start3A_59 = tpu.memref_slice %arg6[%dma_start3A_57, %dma_start3A_58] : memref<160x128xi32, #tpu.memory_space<vmem>> -> memref<1x128xi32, #tpu.memory_space<vmem>>
    %dma_start3A_60 = tpu.memref_squeeze %dma_start3A_59 : memref<1x128xi32, #tpu.memory_space<vmem>> -> memref<128xi32, #tpu.memory_space<vmem>>
    %dma_start3A_61 = arith.constant 0 : i32
    %dma_start3A_62 = arith.constant 0 : i32
    %dma_start3A_63 = tpu.memref_slice %arg4[%arg0, %dma_start3A_61, %dma_start3A_62] : memref<2x10240x64xbf16, #tpu.memory_space<hbm>> -> memref<1x10240x64xbf16, #tpu.memory_space<hbm>>
    %dma_start3A_64 = tpu.memref_squeeze %dma_start3A_63 : memref<1x10240x64xbf16, #tpu.memory_space<hbm>> -> memref<10240x64xbf16, #tpu.memory_space<hbm>>
    %dma_start3A_65 = arith.constant 0 : i32
    %dma_start3A_66 = arith.constant 0 : i32
    %dma_start3A_67 = tpu.memref_slice %dma_start3A_64[%dma_start3A_65, %dma_start3A_66] : memref<10240x64xbf16, #tpu.memory_space<hbm>> -> memref<10240x64xbf16, #tpu.memory_space<hbm>>
    tpu.enqueue_indirect_dma source(%dma_start3A_67 : memref<10240x64xbf16, #tpu.memory_space<hbm>>) target(%arg13 : memref<128x64xbf16, #tpu.memory_space<vmem>>) offsets(%dma_start3A_60 : memref<128xi32, #tpu.memory_space<vmem>>) semaphore(%arg22 : memref<!tpu.dma_semaphore, #tpu.memory_space<semaphore_mem>>)
    %dma_start3A_68 = arith.constant 6 : i32
    %dma_start3A_69 = arith.constant 0 : i32
    %dma_start3A_70 = tpu.memref_slice %arg6[%dma_start3A_68, %dma_start3A_69] : memref<160x128xi32, #tpu.memory_space<vmem>> -> memref<1x128xi32, #tpu.memory_space<vmem>>
    %dma_start3A_71 = tpu.memref_squeeze %dma_start3A_70 : memref<1x128xi32, #tpu.memory_space<vmem>> -> memref<128xi32, #tpu.memory_space<vmem>>
    %dma_start3A_72 = arith.constant 0 : i32
    %dma_start3A_73 = arith.constant 0 : i32
    %dma_start3A_74 = tpu.memref_slice %arg4[%arg0, %dma_start3A_72, %dma_start3A_73] : memref<2x10240x64xbf16, #tpu.memory_space<hbm>> -> memref<1x10240x64xbf16, #tpu.memory_space<hbm>>
    %dma_start3A_75 = tpu.memref_squeeze %dma_start3A_74 : memref<1x10240x64xbf16, #tpu.memory_space<hbm>> -> memref<10240x64xbf16, #tpu.memory_space<hbm>>
    %dma_start3A_76 = arith.constant 0 : i32
    %dma_start3A_77 = arith.constant 0 : i32
    %dma_start3A_78 = tpu.memref_slice %dma_start3A_75[%dma_start3A_76, %dma_start3A_77] : memref<10240x64xbf16, #tpu.memory_space<hbm>> -> memref<10240x64xbf16, #tpu.memory_space<hbm>>
    tpu.enqueue_indirect_dma source(%dma_start3A_78 : memref<10240x64xbf16, #tpu.memory_space<hbm>>) target(%arg14 : memref<128x64xbf16, #tpu.memory_space<vmem>>) offsets(%dma_start3A_71 : memref<128xi32, #tpu.memory_space<vmem>>) semaphore(%arg23 : memref<!tpu.dma_semaphore, #tpu.memory_space<semaphore_mem>>)
    %dma_start3A_79 = arith.constant 7 : i32
    %dma_start3A_80 = arith.constant 0 : i32
    %dma_start3A_81 = tpu.memref_slice %arg6[%dma_start3A_79, %dma_start3A_80] : memref<160x128xi32, #tpu.memory_space<vmem>> -> memref<1x128xi32, #tpu.memory_space<vmem>>
    %dma_start3A_82 = tpu.memref_squeeze %dma_start3A_81 : memref<1x128xi32, #tpu.memory_space<vmem>> -> memref<128xi32, #tpu.memory_space<vmem>>
    %dma_start3A_83 = arith.constant 0 : i32
    %dma_start3A_84 = arith.constant 0 : i32
    %dma_start3A_85 = tpu.memref_slice %arg4[%arg0, %dma_start3A_83, %dma_start3A_84] : memref<2x10240x64xbf16, #tpu.memory_space<hbm>> -> memref<1x10240x64xbf16, #tpu.memory_space<hbm>>
    %dma_start3A_86 = tpu.memref_squeeze %dma_start3A_85 : memref<1x10240x64xbf16, #tpu.memory_space<hbm>> -> memref<10240x64xbf16, #tpu.memory_space<hbm>>
    %dma_start3A_87 = arith.constant 0 : i32
    %dma_start3A_88 = arith.constant 0 : i32
    %dma_start3A_89 = tpu.memref_slice %dma_start3A_86[%dma_start3A_87, %dma_start3A_88] : memref<10240x64xbf16, #tpu.memory_space<hbm>> -> memref<10240x64xbf16, #tpu.memory_space<hbm>>
    tpu.enqueue_indirect_dma source(%dma_start3A_89 : memref<10240x64xbf16, #tpu.memory_space<hbm>>) target(%arg15 : memref<128x64xbf16, #tpu.memory_space<vmem>>) offsets(%dma_start3A_82 : memref<128xi32, #tpu.memory_space<vmem>>) semaphore(%arg24 : memref<!tpu.dma_semaphore, #tpu.memory_space<semaphore_mem>>)
    %scan3A = arith.constant 0 : i32
    %scan3A_90 = arith.constant 0 : i32
    %scan3A_91 = arith.constant 19 : i32
    %scan3A_92 = arith.addi %scan3A_90, %scan3A_91 : i32
    %scan3A_93 = arith.constant 1 : i32
    scf.for %scan3A_196 = %scan3A_90 to %scan3A_92 step %scan3A_93  : i32 {
      %mul3A_197 = arith.constant 8 : i32
      %mul3A_198 = arith.muli %mul3A_197, %scan3A_196 : i32
      %add3A = arith.constant 0 : i32
      %add3A_199 = arith.addi %mul3A_198, %add3A : i32
      %dma_wait3A_200 = arith.constant 0 : i32
      %dma_wait3A_201 = tpu.memref_slice %arg6[%add3A_199, %dma_wait3A_200] : memref<160x128xi32, #tpu.memory_space<vmem>> -> memref<1x128xi32, #tpu.memory_space<vmem>>
      %dma_wait3A_202 = tpu.memref_squeeze %dma_wait3A_201 : memref<1x128xi32, #tpu.memory_space<vmem>> -> memref<128xi32, #tpu.memory_space<vmem>>
      %dma_wait3A_203 = arith.constant 0 : i32
      %dma_wait3A_204 = arith.constant 0 : i32
      %dma_wait3A_205 = tpu.memref_slice %arg4[%arg0, %dma_wait3A_203, %dma_wait3A_204] : memref<2x10240x64xbf16, #tpu.memory_space<hbm>> -> memref<1x10240x64xbf16, #tpu.memory_space<hbm>>
      %dma_wait3A_206 = tpu.memref_squeeze %dma_wait3A_205 : memref<1x10240x64xbf16, #tpu.memory_space<hbm>> -> memref<10240x64xbf16, #tpu.memory_space<hbm>>
      %dma_wait3A_207 = arith.constant 0 : i32
      %dma_wait3A_208 = arith.constant 0 : i32
      %dma_wait3A_209 = tpu.memref_slice %dma_wait3A_206[%dma_wait3A_207, %dma_wait3A_208] : memref<10240x64xbf16, #tpu.memory_space<hbm>> -> memref<10240x64xbf16, #tpu.memory_space<hbm>>
      tpu.wait_indirect_dma semaphore(%arg17 : memref<!tpu.dma_semaphore, #tpu.memory_space<semaphore_mem>>) src(%dma_wait3A_209 : memref<10240x64xbf16, #tpu.memory_space<hbm>>) dst(%arg8 : memref<128x64xbf16, #tpu.memory_space<vmem>>)
      %add3A_210 = arith.constant 0 : i32
      %add3A_211 = arith.addi %mul3A_198, %add3A_210 : i32
      "tpu.region"() ({
        %run_scoped3A_422 = tpu.sem_alloc : memref<!tpu.dma_semaphore, #tpu.memory_space<semaphore_mem>>
        %dma_start3A_423 = arith.constant 0 : i32
        %dma_start3A_424 = tpu.memref_slice %arg7[%add3A_211, %dma_start3A_423] : memref<160x128xi32, #tpu.memory_space<vmem>> -> memref<1x128xi32, #tpu.memory_space<vmem>>
        %dma_start3A_425 = tpu.memref_squeeze %dma_start3A_424 : memref<1x128xi32, #tpu.memory_space<vmem>> -> memref<128xi32, #tpu.memory_space<vmem>>
        %dma_start3A_426 = arith.constant 0 : i32
        %dma_start3A_427 = arith.constant 0 : i32
        %dma_start3A_428 = tpu.memref_slice %arg16[%dma_start3A_426, %dma_start3A_427] : memref<10240x64xbf16, #tpu.memory_space<vmem_shared>> -> memref<10240x64xbf16, #tpu.memory_space<vmem_shared>>
        tpu.enqueue_indirect_dma source(%arg8 : memref<128x64xbf16, #tpu.memory_space<vmem>>) target(%dma_start3A_428 : memref<10240x64xbf16, #tpu.memory_space<vmem_shared>>) offsets(%dma_start3A_425 : memref<128xi32, #tpu.memory_space<vmem>>) semaphore(%run_scoped3A_422 : memref<!tpu.dma_semaphore, #tpu.memory_space<semaphore_mem>>) {add = true}
        %dma_wait3A_429 = arith.constant 0 : i32
        %dma_wait3A_430 = tpu.memref_slice %arg7[%add3A_211, %dma_wait3A_429] : memref<160x128xi32, #tpu.memory_space<vmem>> -> memref<1x128xi32, #tpu.memory_space<vmem>>
        %dma_wait3A_431 = tpu.memref_squeeze %dma_wait3A_430 : memref<1x128xi32, #tpu.memory_space<vmem>> -> memref<128xi32, #tpu.memory_space<vmem>>
        %dma_wait3A_432 = arith.constant 0 : i32
        %dma_wait3A_433 = arith.constant 0 : i32
        %dma_wait3A_434 = tpu.memref_slice %arg16[%dma_wait3A_432, %dma_wait3A_433] : memref<10240x64xbf16, #tpu.memory_space<vmem_shared>> -> memref<10240x64xbf16, #tpu.memory_space<vmem_shared>>
        tpu.wait_indirect_dma semaphore(%run_scoped3A_422 : memref<!tpu.dma_semaphore, #tpu.memory_space<semaphore_mem>>) src(%arg8 : memref<128x64xbf16, #tpu.memory_space<vmem>>) dst(%dma_wait3A_434 : memref<10240x64xbf16, #tpu.memory_space<vmem_shared>>)
        tpu.yield
      }) : () -> ()
      %add3A_212 = arith.constant 0 : i32
      %add3A_213 = arith.addi %mul3A_198, %add3A_212 : i32
      %add3A_214 = arith.constant 8 : i32
      %add3A_215 = arith.addi %add3A_213, %add3A_214 : i32
      %dma_start3A_216 = arith.constant 0 : i32
      %dma_start3A_217 = tpu.memref_slice %arg6[%add3A_215, %dma_start3A_216] : memref<160x128xi32, #tpu.memory_space<vmem>> -> memref<1x128xi32, #tpu.memory_space<vmem>>
      %dma_start3A_218 = tpu.memref_squeeze %dma_start3A_217 : memref<1x128xi32, #tpu.memory_space<vmem>> -> memref<128xi32, #tpu.memory_space<vmem>>
      %dma_start3A_219 = arith.constant 0 : i32
      %dma_start3A_220 = arith.constant 0 : i32
      %dma_start3A_221 = tpu.memref_slice %arg4[%arg0, %dma_start3A_219, %dma_start3A_220] : memref<2x10240x64xbf16, #tpu.memory_space<hbm>> -> memref<1x10240x64xbf16, #tpu.memory_space<hbm>>
      %dma_start3A_222 = tpu.memref_squeeze %dma_start3A_221 : memref<1x10240x64xbf16, #tpu.memory_space<hbm>> -> memref<10240x64xbf16, #tpu.memory_space<hbm>>
      %dma_start3A_223 = arith.constant 0 : i32
      %dma_start3A_224 = arith.constant 0 : i32
      %dma_start3A_225 = tpu.memref_slice %dma_start3A_222[%dma_start3A_223, %dma_start3A_224] : memref<10240x64xbf16, #tpu.memory_space<hbm>> -> memref<10240x64xbf16, #tpu.memory_space<hbm>>
      tpu.enqueue_indirect_dma source(%dma_start3A_225 : memref<10240x64xbf16, #tpu.memory_space<hbm>>) target(%arg8 : memref<128x64xbf16, #tpu.memory_space<vmem>>) offsets(%dma_start3A_218 : memref<128xi32, #tpu.memory_space<vmem>>) semaphore(%arg17 : memref<!tpu.dma_semaphore, #tpu.memory_space<semaphore_mem>>)
      %add3A_226 = arith.constant 1 : i32
      %add3A_227 = arith.addi %mul3A_198, %add3A_226 : i32
      %dma_wait3A_228 = arith.constant 0 : i32
      %dma_wait3A_229 = tpu.memref_slice %arg6[%add3A_227, %dma_wait3A_228] : memref<160x128xi32, #tpu.memory_space<vmem>> -> memref<1x128xi32, #tpu.memory_space<vmem>>
      %dma_wait3A_230 = tpu.memref_squeeze %dma_wait3A_229 : memref<1x128xi32, #tpu.memory_space<vmem>> -> memref<128xi32, #tpu.memory_space<vmem>>
      %dma_wait3A_231 = arith.constant 0 : i32
      %dma_wait3A_232 = arith.constant 0 : i32
      %dma_wait3A_233 = tpu.memref_slice %arg4[%arg0, %dma_wait3A_231, %dma_wait3A_232] : memref<2x10240x64xbf16, #tpu.memory_space<hbm>> -> memref<1x10240x64xbf16, #tpu.memory_space<hbm>>
      %dma_wait3A_234 = tpu.memref_squeeze %dma_wait3A_233 : memref<1x10240x64xbf16, #tpu.memory_space<hbm>> -> memref<10240x64xbf16, #tpu.memory_space<hbm>>
      %dma_wait3A_235 = arith.constant 0 : i32
      %dma_wait3A_236 = arith.constant 0 : i32
      %dma_wait3A_237 = tpu.memref_slice %dma_wait3A_234[%dma_wait3A_235, %dma_wait3A_236] : memref<10240x64xbf16, #tpu.memory_space<hbm>> -> memref<10240x64xbf16, #tpu.memory_space<hbm>>
      tpu.wait_indirect_dma semaphore(%arg18 : memref<!tpu.dma_semaphore, #tpu.memory_space<semaphore_mem>>) src(%dma_wait3A_237 : memref<10240x64xbf16, #tpu.memory_space<hbm>>) dst(%arg9 : memref<128x64xbf16, #tpu.memory_space<vmem>>)
      %add3A_238 = arith.constant 1 : i32
      %add3A_239 = arith.addi %mul3A_198, %add3A_238 : i32
      "tpu.region"() ({
        %run_scoped3A_422 = tpu.sem_alloc : memref<!tpu.dma_semaphore, #tpu.memory_space<semaphore_mem>>
        %dma_start3A_423 = arith.constant 0 : i32
        %dma_start3A_424 = tpu.memref_slice %arg7[%add3A_239, %dma_start3A_423] : memref<160x128xi32, #tpu.memory_space<vmem>> -> memref<1x128xi32, #tpu.memory_space<vmem>>
        %dma_start3A_425 = tpu.memref_squeeze %dma_start3A_424 : memref<1x128xi32, #tpu.memory_space<vmem>> -> memref<128xi32, #tpu.memory_space<vmem>>
        %dma_start3A_426 = arith.constant 0 : i32
        %dma_start3A_427 = arith.constant 0 : i32
        %dma_start3A_428 = tpu.memref_slice %arg16[%dma_start3A_426, %dma_start3A_427] : memref<10240x64xbf16, #tpu.memory_space<vmem_shared>> -> memref<10240x64xbf16, #tpu.memory_space<vmem_shared>>
        tpu.enqueue_indirect_dma source(%arg9 : memref<128x64xbf16, #tpu.memory_space<vmem>>) target(%dma_start3A_428 : memref<10240x64xbf16, #tpu.memory_space<vmem_shared>>) offsets(%dma_start3A_425 : memref<128xi32, #tpu.memory_space<vmem>>) semaphore(%run_scoped3A_422 : memref<!tpu.dma_semaphore, #tpu.memory_space<semaphore_mem>>) {add = true}
        %dma_wait3A_429 = arith.constant 0 : i32
        %dma_wait3A_430 = tpu.memref_slice %arg7[%add3A_239, %dma_wait3A_429] : memref<160x128xi32, #tpu.memory_space<vmem>> -> memref<1x128xi32, #tpu.memory_space<vmem>>
        %dma_wait3A_431 = tpu.memref_squeeze %dma_wait3A_430 : memref<1x128xi32, #tpu.memory_space<vmem>> -> memref<128xi32, #tpu.memory_space<vmem>>
        %dma_wait3A_432 = arith.constant 0 : i32
        %dma_wait3A_433 = arith.constant 0 : i32
        %dma_wait3A_434 = tpu.memref_slice %arg16[%dma_wait3A_432, %dma_wait3A_433] : memref<10240x64xbf16, #tpu.memory_space<vmem_shared>> -> memref<10240x64xbf16, #tpu.memory_space<vmem_shared>>
        tpu.wait_indirect_dma semaphore(%run_scoped3A_422 : memref<!tpu.dma_semaphore, #tpu.memory_space<semaphore_mem>>) src(%arg9 : memref<128x64xbf16, #tpu.memory_space<vmem>>) dst(%dma_wait3A_434 : memref<10240x64xbf16, #tpu.memory_space<vmem_shared>>)
        tpu.yield
      }) : () -> ()
      %add3A_240 = arith.constant 1 : i32
      %add3A_241 = arith.addi %mul3A_198, %add3A_240 : i32
      %add3A_242 = arith.constant 8 : i32
      %add3A_243 = arith.addi %add3A_241, %add3A_242 : i32
      %dma_start3A_244 = arith.constant 0 : i32
      %dma_start3A_245 = tpu.memref_slice %arg6[%add3A_243, %dma_start3A_244] : memref<160x128xi32, #tpu.memory_space<vmem>> -> memref<1x128xi32, #tpu.memory_space<vmem>>
      %dma_start3A_246 = tpu.memref_squeeze %dma_start3A_245 : memref<1x128xi32, #tpu.memory_space<vmem>> -> memref<128xi32, #tpu.memory_space<vmem>>
      %dma_start3A_247 = arith.constant 0 : i32
      %dma_start3A_248 = arith.constant 0 : i32
      %dma_start3A_249 = tpu.memref_slice %arg4[%arg0, %dma_start3A_247, %dma_start3A_248] : memref<2x10240x64xbf16, #tpu.memory_space<hbm>> -> memref<1x10240x64xbf16, #tpu.memory_space<hbm>>
      %dma_start3A_250 = tpu.memref_squeeze %dma_start3A_249 : memref<1x10240x64xbf16, #tpu.memory_space<hbm>> -> memref<10240x64xbf16, #tpu.memory_space<hbm>>
      %dma_start3A_251 = arith.constant 0 : i32
      %dma_start3A_252 = arith.constant 0 : i32
      %dma_start3A_253 = tpu.memref_slice %dma_start3A_250[%dma_start3A_251, %dma_start3A_252] : memref<10240x64xbf16, #tpu.memory_space<hbm>> -> memref<10240x64xbf16, #tpu.memory_space<hbm>>
      tpu.enqueue_indirect_dma source(%dma_start3A_253 : memref<10240x64xbf16, #tpu.memory_space<hbm>>) target(%arg9 : memref<128x64xbf16, #tpu.memory_space<vmem>>) offsets(%dma_start3A_246 : memref<128xi32, #tpu.memory_space<vmem>>) semaphore(%arg18 : memref<!tpu.dma_semaphore, #tpu.memory_space<semaphore_mem>>)
      %add3A_254 = arith.constant 2 : i32
      %add3A_255 = arith.addi %mul3A_198, %add3A_254 : i32
      %dma_wait3A_256 = arith.constant 0 : i32
      %dma_wait3A_257 = tpu.memref_slice %arg6[%add3A_255, %dma_wait3A_256] : memref<160x128xi32, #tpu.memory_space<vmem>> -> memref<1x128xi32, #tpu.memory_space<vmem>>
      %dma_wait3A_258 = tpu.memref_squeeze %dma_wait3A_257 : memref<1x128xi32, #tpu.memory_space<vmem>> -> memref<128xi32, #tpu.memory_space<vmem>>
      %dma_wait3A_259 = arith.constant 0 : i32
      %dma_wait3A_260 = arith.constant 0 : i32
      %dma_wait3A_261 = tpu.memref_slice %arg4[%arg0, %dma_wait3A_259, %dma_wait3A_260] : memref<2x10240x64xbf16, #tpu.memory_space<hbm>> -> memref<1x10240x64xbf16, #tpu.memory_space<hbm>>
      %dma_wait3A_262 = tpu.memref_squeeze %dma_wait3A_261 : memref<1x10240x64xbf16, #tpu.memory_space<hbm>> -> memref<10240x64xbf16, #tpu.memory_space<hbm>>
      %dma_wait3A_263 = arith.constant 0 : i32
      %dma_wait3A_264 = arith.constant 0 : i32
      %dma_wait3A_265 = tpu.memref_slice %dma_wait3A_262[%dma_wait3A_263, %dma_wait3A_264] : memref<10240x64xbf16, #tpu.memory_space<hbm>> -> memref<10240x64xbf16, #tpu.memory_space<hbm>>
      tpu.wait_indirect_dma semaphore(%arg19 : memref<!tpu.dma_semaphore, #tpu.memory_space<semaphore_mem>>) src(%dma_wait3A_265 : memref<10240x64xbf16, #tpu.memory_space<hbm>>) dst(%arg10 : memref<128x64xbf16, #tpu.memory_space<vmem>>)
      %add3A_266 = arith.constant 2 : i32
      %add3A_267 = arith.addi %mul3A_198, %add3A_266 : i32
      "tpu.region"() ({
        %run_scoped3A_422 = tpu.sem_alloc : memref<!tpu.dma_semaphore, #tpu.memory_space<semaphore_mem>>
        %dma_start3A_423 = arith.constant 0 : i32
        %dma_start3A_424 = tpu.memref_slice %arg7[%add3A_267, %dma_start3A_423] : memref<160x128xi32, #tpu.memory_space<vmem>> -> memref<1x128xi32, #tpu.memory_space<vmem>>
        %dma_start3A_425 = tpu.memref_squeeze %dma_start3A_424 : memref<1x128xi32, #tpu.memory_space<vmem>> -> memref<128xi32, #tpu.memory_space<vmem>>
        %dma_start3A_426 = arith.constant 0 : i32
        %dma_start3A_427 = arith.constant 0 : i32
        %dma_start3A_428 = tpu.memref_slice %arg16[%dma_start3A_426, %dma_start3A_427] : memref<10240x64xbf16, #tpu.memory_space<vmem_shared>> -> memref<10240x64xbf16, #tpu.memory_space<vmem_shared>>
        tpu.enqueue_indirect_dma source(%arg10 : memref<128x64xbf16, #tpu.memory_space<vmem>>) target(%dma_start3A_428 : memref<10240x64xbf16, #tpu.memory_space<vmem_shared>>) offsets(%dma_start3A_425 : memref<128xi32, #tpu.memory_space<vmem>>) semaphore(%run_scoped3A_422 : memref<!tpu.dma_semaphore, #tpu.memory_space<semaphore_mem>>) {add = true}
        %dma_wait3A_429 = arith.constant 0 : i32
        %dma_wait3A_430 = tpu.memref_slice %arg7[%add3A_267, %dma_wait3A_429] : memref<160x128xi32, #tpu.memory_space<vmem>> -> memref<1x128xi32, #tpu.memory_space<vmem>>
        %dma_wait3A_431 = tpu.memref_squeeze %dma_wait3A_430 : memref<1x128xi32, #tpu.memory_space<vmem>> -> memref<128xi32, #tpu.memory_space<vmem>>
        %dma_wait3A_432 = arith.constant 0 : i32
        %dma_wait3A_433 = arith.constant 0 : i32
        %dma_wait3A_434 = tpu.memref_slice %arg16[%dma_wait3A_432, %dma_wait3A_433] : memref<10240x64xbf16, #tpu.memory_space<vmem_shared>> -> memref<10240x64xbf16, #tpu.memory_space<vmem_shared>>
        tpu.wait_indirect_dma semaphore(%run_scoped3A_422 : memref<!tpu.dma_semaphore, #tpu.memory_space<semaphore_mem>>) src(%arg10 : memref<128x64xbf16, #tpu.memory_space<vmem>>) dst(%dma_wait3A_434 : memref<10240x64xbf16, #tpu.memory_space<vmem_shared>>)
        tpu.yield
      }) : () -> ()
      %add3A_268 = arith.constant 2 : i32
      %add3A_269 = arith.addi %mul3A_198, %add3A_268 : i32
      %add3A_270 = arith.constant 8 : i32
      %add3A_271 = arith.addi %add3A_269, %add3A_270 : i32
      %dma_start3A_272 = arith.constant 0 : i32
      %dma_start3A_273 = tpu.memref_slice %arg6[%add3A_271, %dma_start3A_272] : memref<160x128xi32, #tpu.memory_space<vmem>> -> memref<1x128xi32, #tpu.memory_space<vmem>>
      %dma_start3A_274 = tpu.memref_squeeze %dma_start3A_273 : memref<1x128xi32, #tpu.memory_space<vmem>> -> memref<128xi32, #tpu.memory_space<vmem>>
      %dma_start3A_275 = arith.constant 0 : i32
      %dma_start3A_276 = arith.constant 0 : i32
      %dma_start3A_277 = tpu.memref_slice %arg4[%arg0, %dma_start3A_275, %dma_start3A_276] : memref<2x10240x64xbf16, #tpu.memory_space<hbm>> -> memref<1x10240x64xbf16, #tpu.memory_space<hbm>>
      %dma_start3A_278 = tpu.memref_squeeze %dma_start3A_277 : memref<1x10240x64xbf16, #tpu.memory_space<hbm>> -> memref<10240x64xbf16, #tpu.memory_space<hbm>>
      %dma_start3A_279 = arith.constant 0 : i32
      %dma_start3A_280 = arith.constant 0 : i32
      %dma_start3A_281 = tpu.memref_slice %dma_start3A_278[%dma_start3A_279, %dma_start3A_280] : memref<10240x64xbf16, #tpu.memory_space<hbm>> -> memref<10240x64xbf16, #tpu.memory_space<hbm>>
      tpu.enqueue_indirect_dma source(%dma_start3A_281 : memref<10240x64xbf16, #tpu.memory_space<hbm>>) target(%arg10 : memref<128x64xbf16, #tpu.memory_space<vmem>>) offsets(%dma_start3A_274 : memref<128xi32, #tpu.memory_space<vmem>>) semaphore(%arg19 : memref<!tpu.dma_semaphore, #tpu.memory_space<semaphore_mem>>)
      %add3A_282 = arith.constant 3 : i32
      %add3A_283 = arith.addi %mul3A_198, %add3A_282 : i32
      %dma_wait3A_284 = arith.constant 0 : i32
      %dma_wait3A_285 = tpu.memref_slice %arg6[%add3A_283, %dma_wait3A_284] : memref<160x128xi32, #tpu.memory_space<vmem>> -> memref<1x128xi32, #tpu.memory_space<vmem>>
      %dma_wait3A_286 = tpu.memref_squeeze %dma_wait3A_285 : memref<1x128xi32, #tpu.memory_space<vmem>> -> memref<128xi32, #tpu.memory_space<vmem>>
      %dma_wait3A_287 = arith.constant 0 : i32
      %dma_wait3A_288 = arith.constant 0 : i32
      %dma_wait3A_289 = tpu.memref_slice %arg4[%arg0, %dma_wait3A_287, %dma_wait3A_288] : memref<2x10240x64xbf16, #tpu.memory_space<hbm>> -> memref<1x10240x64xbf16, #tpu.memory_space<hbm>>
      %dma_wait3A_290 = tpu.memref_squeeze %dma_wait3A_289 : memref<1x10240x64xbf16, #tpu.memory_space<hbm>> -> memref<10240x64xbf16, #tpu.memory_space<hbm>>
      %dma_wait3A_291 = arith.constant 0 : i32
      %dma_wait3A_292 = arith.constant 0 : i32
      %dma_wait3A_293 = tpu.memref_slice %dma_wait3A_290[%dma_wait3A_291, %dma_wait3A_292] : memref<10240x64xbf16, #tpu.memory_space<hbm>> -> memref<10240x64xbf16, #tpu.memory_space<hbm>>
      tpu.wait_indirect_dma semaphore(%arg20 : memref<!tpu.dma_semaphore, #tpu.memory_space<semaphore_mem>>) src(%dma_wait3A_293 : memref<10240x64xbf16, #tpu.memory_space<hbm>>) dst(%arg11 : memref<128x64xbf16, #tpu.memory_space<vmem>>)
      %add3A_294 = arith.constant 3 : i32
      %add3A_295 = arith.addi %mul3A_198, %add3A_294 : i32
      "tpu.region"() ({
        %run_scoped3A_422 = tpu.sem_alloc : memref<!tpu.dma_semaphore, #tpu.memory_space<semaphore_mem>>
        %dma_start3A_423 = arith.constant 0 : i32
        %dma_start3A_424 = tpu.memref_slice %arg7[%add3A_295, %dma_start3A_423] : memref<160x128xi32, #tpu.memory_space<vmem>> -> memref<1x128xi32, #tpu.memory_space<vmem>>
        %dma_start3A_425 = tpu.memref_squeeze %dma_start3A_424 : memref<1x128xi32, #tpu.memory_space<vmem>> -> memref<128xi32, #tpu.memory_space<vmem>>
        %dma_start3A_426 = arith.constant 0 : i32
        %dma_start3A_427 = arith.constant 0 : i32
        %dma_start3A_428 = tpu.memref_slice %arg16[%dma_start3A_426, %dma_start3A_427] : memref<10240x64xbf16, #tpu.memory_space<vmem_shared>> -> memref<10240x64xbf16, #tpu.memory_space<vmem_shared>>
        tpu.enqueue_indirect_dma source(%arg11 : memref<128x64xbf16, #tpu.memory_space<vmem>>) target(%dma_start3A_428 : memref<10240x64xbf16, #tpu.memory_space<vmem_shared>>) offsets(%dma_start3A_425 : memref<128xi32, #tpu.memory_space<vmem>>) semaphore(%run_scoped3A_422 : memref<!tpu.dma_semaphore, #tpu.memory_space<semaphore_mem>>) {add = true}
        %dma_wait3A_429 = arith.constant 0 : i32
        %dma_wait3A_430 = tpu.memref_slice %arg7[%add3A_295, %dma_wait3A_429] : memref<160x128xi32, #tpu.memory_space<vmem>> -> memref<1x128xi32, #tpu.memory_space<vmem>>
        %dma_wait3A_431 = tpu.memref_squeeze %dma_wait3A_430 : memref<1x128xi32, #tpu.memory_space<vmem>> -> memref<128xi32, #tpu.memory_space<vmem>>
        %dma_wait3A_432 = arith.constant 0 : i32
        %dma_wait3A_433 = arith.constant 0 : i32
        %dma_wait3A_434 = tpu.memref_slice %arg16[%dma_wait3A_432, %dma_wait3A_433] : memref<10240x64xbf16, #tpu.memory_space<vmem_shared>> -> memref<10240x64xbf16, #tpu.memory_space<vmem_shared>>
        tpu.wait_indirect_dma semaphore(%run_scoped3A_422 : memref<!tpu.dma_semaphore, #tpu.memory_space<semaphore_mem>>) src(%arg11 : memref<128x64xbf16, #tpu.memory_space<vmem>>) dst(%dma_wait3A_434 : memref<10240x64xbf16, #tpu.memory_space<vmem_shared>>)
        tpu.yield
      }) : () -> ()
      %add3A_296 = arith.constant 3 : i32
      %add3A_297 = arith.addi %mul3A_198, %add3A_296 : i32
      %add3A_298 = arith.constant 8 : i32
      %add3A_299 = arith.addi %add3A_297, %add3A_298 : i32
      %dma_start3A_300 = arith.constant 0 : i32
      %dma_start3A_301 = tpu.memref_slice %arg6[%add3A_299, %dma_start3A_300] : memref<160x128xi32, #tpu.memory_space<vmem>> -> memref<1x128xi32, #tpu.memory_space<vmem>>
      %dma_start3A_302 = tpu.memref_squeeze %dma_start3A_301 : memref<1x128xi32, #tpu.memory_space<vmem>> -> memref<128xi32, #tpu.memory_space<vmem>>
      %dma_start3A_303 = arith.constant 0 : i32
      %dma_start3A_304 = arith.constant 0 : i32
      %dma_start3A_305 = tpu.memref_slice %arg4[%arg0, %dma_start3A_303, %dma_start3A_304] : memref<2x10240x64xbf16, #tpu.memory_space<hbm>> -> memref<1x10240x64xbf16, #tpu.memory_space<hbm>>
      %dma_start3A_306 = tpu.memref_squeeze %dma_start3A_305 : memref<1x10240x64xbf16, #tpu.memory_space<hbm>> -> memref<10240x64xbf16, #tpu.memory_space<hbm>>
      %dma_start3A_307 = arith.constant 0 : i32
      %dma_start3A_308 = arith.constant 0 : i32
      %dma_start3A_309 = tpu.memref_slice %dma_start3A_306[%dma_start3A_307, %dma_start3A_308] : memref<10240x64xbf16, #tpu.memory_space<hbm>> -> memref<10240x64xbf16, #tpu.memory_space<hbm>>
      tpu.enqueue_indirect_dma source(%dma_start3A_309 : memref<10240x64xbf16, #tpu.memory_space<hbm>>) target(%arg11 : memref<128x64xbf16, #tpu.memory_space<vmem>>) offsets(%dma_start3A_302 : memref<128xi32, #tpu.memory_space<vmem>>) semaphore(%arg20 : memref<!tpu.dma_semaphore, #tpu.memory_space<semaphore_mem>>)
      %add3A_310 = arith.constant 4 : i32
      %add3A_311 = arith.addi %mul3A_198, %add3A_310 : i32
      %dma_wait3A_312 = arith.constant 0 : i32
      %dma_wait3A_313 = tpu.memref_slice %arg6[%add3A_311, %dma_wait3A_312] : memref<160x128xi32, #tpu.memory_space<vmem>> -> memref<1x128xi32, #tpu.memory_space<vmem>>
      %dma_wait3A_314 = tpu.memref_squeeze %dma_wait3A_313 : memref<1x128xi32, #tpu.memory_space<vmem>> -> memref<128xi32, #tpu.memory_space<vmem>>
      %dma_wait3A_315 = arith.constant 0 : i32
      %dma_wait3A_316 = arith.constant 0 : i32
      %dma_wait3A_317 = tpu.memref_slice %arg4[%arg0, %dma_wait3A_315, %dma_wait3A_316] : memref<2x10240x64xbf16, #tpu.memory_space<hbm>> -> memref<1x10240x64xbf16, #tpu.memory_space<hbm>>
      %dma_wait3A_318 = tpu.memref_squeeze %dma_wait3A_317 : memref<1x10240x64xbf16, #tpu.memory_space<hbm>> -> memref<10240x64xbf16, #tpu.memory_space<hbm>>
      %dma_wait3A_319 = arith.constant 0 : i32
      %dma_wait3A_320 = arith.constant 0 : i32
      %dma_wait3A_321 = tpu.memref_slice %dma_wait3A_318[%dma_wait3A_319, %dma_wait3A_320] : memref<10240x64xbf16, #tpu.memory_space<hbm>> -> memref<10240x64xbf16, #tpu.memory_space<hbm>>
      tpu.wait_indirect_dma semaphore(%arg21 : memref<!tpu.dma_semaphore, #tpu.memory_space<semaphore_mem>>) src(%dma_wait3A_321 : memref<10240x64xbf16, #tpu.memory_space<hbm>>) dst(%arg12 : memref<128x64xbf16, #tpu.memory_space<vmem>>)
      %add3A_322 = arith.constant 4 : i32
      %add3A_323 = arith.addi %mul3A_198, %add3A_322 : i32
      "tpu.region"() ({
        %run_scoped3A_422 = tpu.sem_alloc : memref<!tpu.dma_semaphore, #tpu.memory_space<semaphore_mem>>
        %dma_start3A_423 = arith.constant 0 : i32
        %dma_start3A_424 = tpu.memref_slice %arg7[%add3A_323, %dma_start3A_423] : memref<160x128xi32, #tpu.memory_space<vmem>> -> memref<1x128xi32, #tpu.memory_space<vmem>>
        %dma_start3A_425 = tpu.memref_squeeze %dma_start3A_424 : memref<1x128xi32, #tpu.memory_space<vmem>> -> memref<128xi32, #tpu.memory_space<vmem>>
        %dma_start3A_426 = arith.constant 0 : i32
        %dma_start3A_427 = arith.constant 0 : i32
        %dma_start3A_428 = tpu.memref_slice %arg16[%dma_start3A_426, %dma_start3A_427] : memref<10240x64xbf16, #tpu.memory_space<vmem_shared>> -> memref<10240x64xbf16, #tpu.memory_space<vmem_shared>>
        tpu.enqueue_indirect_dma source(%arg12 : memref<128x64xbf16, #tpu.memory_space<vmem>>) target(%dma_start3A_428 : memref<10240x64xbf16, #tpu.memory_space<vmem_shared>>) offsets(%dma_start3A_425 : memref<128xi32, #tpu.memory_space<vmem>>) semaphore(%run_scoped3A_422 : memref<!tpu.dma_semaphore, #tpu.memory_space<semaphore_mem>>) {add = true}
        %dma_wait3A_429 = arith.constant 0 : i32
        %dma_wait3A_430 = tpu.memref_slice %arg7[%add3A_323, %dma_wait3A_429] : memref<160x128xi32, #tpu.memory_space<vmem>> -> memref<1x128xi32, #tpu.memory_space<vmem>>
        %dma_wait3A_431 = tpu.memref_squeeze %dma_wait3A_430 : memref<1x128xi32, #tpu.memory_space<vmem>> -> memref<128xi32, #tpu.memory_space<vmem>>
        %dma_wait3A_432 = arith.constant 0 : i32
        %dma_wait3A_433 = arith.constant 0 : i32
        %dma_wait3A_434 = tpu.memref_slice %arg16[%dma_wait3A_432, %dma_wait3A_433] : memref<10240x64xbf16, #tpu.memory_space<vmem_shared>> -> memref<10240x64xbf16, #tpu.memory_space<vmem_shared>>
        tpu.wait_indirect_dma semaphore(%run_scoped3A_422 : memref<!tpu.dma_semaphore, #tpu.memory_space<semaphore_mem>>) src(%arg12 : memref<128x64xbf16, #tpu.memory_space<vmem>>) dst(%dma_wait3A_434 : memref<10240x64xbf16, #tpu.memory_space<vmem_shared>>)
        tpu.yield
      }) : () -> ()
      %add3A_324 = arith.constant 4 : i32
      %add3A_325 = arith.addi %mul3A_198, %add3A_324 : i32
      %add3A_326 = arith.constant 8 : i32
      %add3A_327 = arith.addi %add3A_325, %add3A_326 : i32
      %dma_start3A_328 = arith.constant 0 : i32
      %dma_start3A_329 = tpu.memref_slice %arg6[%add3A_327, %dma_start3A_328] : memref<160x128xi32, #tpu.memory_space<vmem>> -> memref<1x128xi32, #tpu.memory_space<vmem>>
      %dma_start3A_330 = tpu.memref_squeeze %dma_start3A_329 : memref<1x128xi32, #tpu.memory_space<vmem>> -> memref<128xi32, #tpu.memory_space<vmem>>
      %dma_start3A_331 = arith.constant 0 : i32
      %dma_start3A_332 = arith.constant 0 : i32
      %dma_start3A_333 = tpu.memref_slice %arg4[%arg0, %dma_start3A_331, %dma_start3A_332] : memref<2x10240x64xbf16, #tpu.memory_space<hbm>> -> memref<1x10240x64xbf16, #tpu.memory_space<hbm>>
      %dma_start3A_334 = tpu.memref_squeeze %dma_start3A_333 : memref<1x10240x64xbf16, #tpu.memory_space<hbm>> -> memref<10240x64xbf16, #tpu.memory_space<hbm>>
      %dma_start3A_335 = arith.constant 0 : i32
      %dma_start3A_336 = arith.constant 0 : i32
      %dma_start3A_337 = tpu.memref_slice %dma_start3A_334[%dma_start3A_335, %dma_start3A_336] : memref<10240x64xbf16, #tpu.memory_space<hbm>> -> memref<10240x64xbf16, #tpu.memory_space<hbm>>
      tpu.enqueue_indirect_dma source(%dma_start3A_337 : memref<10240x64xbf16, #tpu.memory_space<hbm>>) target(%arg12 : memref<128x64xbf16, #tpu.memory_space<vmem>>) offsets(%dma_start3A_330 : memref<128xi32, #tpu.memory_space<vmem>>) semaphore(%arg21 : memref<!tpu.dma_semaphore, #tpu.memory_space<semaphore_mem>>)
      %add3A_338 = arith.constant 5 : i32
      %add3A_339 = arith.addi %mul3A_198, %add3A_338 : i32
      %dma_wait3A_340 = arith.constant 0 : i32
      %dma_wait3A_341 = tpu.memref_slice %arg6[%add3A_339, %dma_wait3A_340] : memref<160x128xi32, #tpu.memory_space<vmem>> -> memref<1x128xi32, #tpu.memory_space<vmem>>
      %dma_wait3A_342 = tpu.memref_squeeze %dma_wait3A_341 : memref<1x128xi32, #tpu.memory_space<vmem>> -> memref<128xi32, #tpu.memory_space<vmem>>
      %dma_wait3A_343 = arith.constant 0 : i32
      %dma_wait3A_344 = arith.constant 0 : i32
      %dma_wait3A_345 = tpu.memref_slice %arg4[%arg0, %dma_wait3A_343, %dma_wait3A_344] : memref<2x10240x64xbf16, #tpu.memory_space<hbm>> -> memref<1x10240x64xbf16, #tpu.memory_space<hbm>>
      %dma_wait3A_346 = tpu.memref_squeeze %dma_wait3A_345 : memref<1x10240x64xbf16, #tpu.memory_space<hbm>> -> memref<10240x64xbf16, #tpu.memory_space<hbm>>
      %dma_wait3A_347 = arith.constant 0 : i32
      %dma_wait3A_348 = arith.constant 0 : i32
      %dma_wait3A_349 = tpu.memref_slice %dma_wait3A_346[%dma_wait3A_347, %dma_wait3A_348] : memref<10240x64xbf16, #tpu.memory_space<hbm>> -> memref<10240x64xbf16, #tpu.memory_space<hbm>>
      tpu.wait_indirect_dma semaphore(%arg22 : memref<!tpu.dma_semaphore, #tpu.memory_space<semaphore_mem>>) src(%dma_wait3A_349 : memref<10240x64xbf16, #tpu.memory_space<hbm>>) dst(%arg13 : memref<128x64xbf16, #tpu.memory_space<vmem>>)
      %add3A_350 = arith.constant 5 : i32
      %add3A_351 = arith.addi %mul3A_198, %add3A_350 : i32
      "tpu.region"() ({
        %run_scoped3A_422 = tpu.sem_alloc : memref<!tpu.dma_semaphore, #tpu.memory_space<semaphore_mem>>
        %dma_start3A_423 = arith.constant 0 : i32
        %dma_start3A_424 = tpu.memref_slice %arg7[%add3A_351, %dma_start3A_423] : memref<160x128xi32, #tpu.memory_space<vmem>> -> memref<1x128xi32, #tpu.memory_space<vmem>>
        %dma_start3A_425 = tpu.memref_squeeze %dma_start3A_424 : memref<1x128xi32, #tpu.memory_space<vmem>> -> memref<128xi32, #tpu.memory_space<vmem>>
        %dma_start3A_426 = arith.constant 0 : i32
        %dma_start3A_427 = arith.constant 0 : i32
        %dma_start3A_428 = tpu.memref_slice %arg16[%dma_start3A_426, %dma_start3A_427] : memref<10240x64xbf16, #tpu.memory_space<vmem_shared>> -> memref<10240x64xbf16, #tpu.memory_space<vmem_shared>>
        tpu.enqueue_indirect_dma source(%arg13 : memref<128x64xbf16, #tpu.memory_space<vmem>>) target(%dma_start3A_428 : memref<10240x64xbf16, #tpu.memory_space<vmem_shared>>) offsets(%dma_start3A_425 : memref<128xi32, #tpu.memory_space<vmem>>) semaphore(%run_scoped3A_422 : memref<!tpu.dma_semaphore, #tpu.memory_space<semaphore_mem>>) {add = true}
        %dma_wait3A_429 = arith.constant 0 : i32
        %dma_wait3A_430 = tpu.memref_slice %arg7[%add3A_351, %dma_wait3A_429] : memref<160x128xi32, #tpu.memory_space<vmem>> -> memref<1x128xi32, #tpu.memory_space<vmem>>
        %dma_wait3A_431 = tpu.memref_squeeze %dma_wait3A_430 : memref<1x128xi32, #tpu.memory_space<vmem>> -> memref<128xi32, #tpu.memory_space<vmem>>
        %dma_wait3A_432 = arith.constant 0 : i32
        %dma_wait3A_433 = arith.constant 0 : i32
        %dma_wait3A_434 = tpu.memref_slice %arg16[%dma_wait3A_432, %dma_wait3A_433] : memref<10240x64xbf16, #tpu.memory_space<vmem_shared>> -> memref<10240x64xbf16, #tpu.memory_space<vmem_shared>>
        tpu.wait_indirect_dma semaphore(%run_scoped3A_422 : memref<!tpu.dma_semaphore, #tpu.memory_space<semaphore_mem>>) src(%arg13 : memref<128x64xbf16, #tpu.memory_space<vmem>>) dst(%dma_wait3A_434 : memref<10240x64xbf16, #tpu.memory_space<vmem_shared>>)
        tpu.yield
      }) : () -> ()
      %add3A_352 = arith.constant 5 : i32
      %add3A_353 = arith.addi %mul3A_198, %add3A_352 : i32
      %add3A_354 = arith.constant 8 : i32
      %add3A_355 = arith.addi %add3A_353, %add3A_354 : i32
      %dma_start3A_356 = arith.constant 0 : i32
      %dma_start3A_357 = tpu.memref_slice %arg6[%add3A_355, %dma_start3A_356] : memref<160x128xi32, #tpu.memory_space<vmem>> -> memref<1x128xi32, #tpu.memory_space<vmem>>
      %dma_start3A_358 = tpu.memref_squeeze %dma_start3A_357 : memref<1x128xi32, #tpu.memory_space<vmem>> -> memref<128xi32, #tpu.memory_space<vmem>>
      %dma_start3A_359 = arith.constant 0 : i32
      %dma_start3A_360 = arith.constant 0 : i32
      %dma_start3A_361 = tpu.memref_slice %arg4[%arg0, %dma_start3A_359, %dma_start3A_360] : memref<2x10240x64xbf16, #tpu.memory_space<hbm>> -> memref<1x10240x64xbf16, #tpu.memory_space<hbm>>
      %dma_start3A_362 = tpu.memref_squeeze %dma_start3A_361 : memref<1x10240x64xbf16, #tpu.memory_space<hbm>> -> memref<10240x64xbf16, #tpu.memory_space<hbm>>
      %dma_start3A_363 = arith.constant 0 : i32
      %dma_start3A_364 = arith.constant 0 : i32
      %dma_start3A_365 = tpu.memref_slice %dma_start3A_362[%dma_start3A_363, %dma_start3A_364] : memref<10240x64xbf16, #tpu.memory_space<hbm>> -> memref<10240x64xbf16, #tpu.memory_space<hbm>>
      tpu.enqueue_indirect_dma source(%dma_start3A_365 : memref<10240x64xbf16, #tpu.memory_space<hbm>>) target(%arg13 : memref<128x64xbf16, #tpu.memory_space<vmem>>) offsets(%dma_start3A_358 : memref<128xi32, #tpu.memory_space<vmem>>) semaphore(%arg22 : memref<!tpu.dma_semaphore, #tpu.memory_space<semaphore_mem>>)
      %add3A_366 = arith.constant 6 : i32
      %add3A_367 = arith.addi %mul3A_198, %add3A_366 : i32
      %dma_wait3A_368 = arith.constant 0 : i32
      %dma_wait3A_369 = tpu.memref_slice %arg6[%add3A_367, %dma_wait3A_368] : memref<160x128xi32, #tpu.memory_space<vmem>> -> memref<1x128xi32, #tpu.memory_space<vmem>>
      %dma_wait3A_370 = tpu.memref_squeeze %dma_wait3A_369 : memref<1x128xi32, #tpu.memory_space<vmem>> -> memref<128xi32, #tpu.memory_space<vmem>>
      %dma_wait3A_371 = arith.constant 0 : i32
      %dma_wait3A_372 = arith.constant 0 : i32
      %dma_wait3A_373 = tpu.memref_slice %arg4[%arg0, %dma_wait3A_371, %dma_wait3A_372] : memref<2x10240x64xbf16, #tpu.memory_space<hbm>> -> memref<1x10240x64xbf16, #tpu.memory_space<hbm>>
      %dma_wait3A_374 = tpu.memref_squeeze %dma_wait3A_373 : memref<1x10240x64xbf16, #tpu.memory_space<hbm>> -> memref<10240x64xbf16, #tpu.memory_space<hbm>>
      %dma_wait3A_375 = arith.constant 0 : i32
      %dma_wait3A_376 = arith.constant 0 : i32
      %dma_wait3A_377 = tpu.memref_slice %dma_wait3A_374[%dma_wait3A_375, %dma_wait3A_376] : memref<10240x64xbf16, #tpu.memory_space<hbm>> -> memref<10240x64xbf16, #tpu.memory_space<hbm>>
      tpu.wait_indirect_dma semaphore(%arg23 : memref<!tpu.dma_semaphore, #tpu.memory_space<semaphore_mem>>) src(%dma_wait3A_377 : memref<10240x64xbf16, #tpu.memory_space<hbm>>) dst(%arg14 : memref<128x64xbf16, #tpu.memory_space<vmem>>)
      %add3A_378 = arith.constant 6 : i32
      %add3A_379 = arith.addi %mul3A_198, %add3A_378 : i32
      "tpu.region"() ({
        %run_scoped3A_422 = tpu.sem_alloc : memref<!tpu.dma_semaphore, #tpu.memory_space<semaphore_mem>>
        %dma_start3A_423 = arith.constant 0 : i32
        %dma_start3A_424 = tpu.memref_slice %arg7[%add3A_379, %dma_start3A_423] : memref<160x128xi32, #tpu.memory_space<vmem>> -> memref<1x128xi32, #tpu.memory_space<vmem>>
        %dma_start3A_425 = tpu.memref_squeeze %dma_start3A_424 : memref<1x128xi32, #tpu.memory_space<vmem>> -> memref<128xi32, #tpu.memory_space<vmem>>
        %dma_start3A_426 = arith.constant 0 : i32
        %dma_start3A_427 = arith.constant 0 : i32
        %dma_start3A_428 = tpu.memref_slice %arg16[%dma_start3A_426, %dma_start3A_427] : memref<10240x64xbf16, #tpu.memory_space<vmem_shared>> -> memref<10240x64xbf16, #tpu.memory_space<vmem_shared>>
        tpu.enqueue_indirect_dma source(%arg14 : memref<128x64xbf16, #tpu.memory_space<vmem>>) target(%dma_start3A_428 : memref<10240x64xbf16, #tpu.memory_space<vmem_shared>>) offsets(%dma_start3A_425 : memref<128xi32, #tpu.memory_space<vmem>>) semaphore(%run_scoped3A_422 : memref<!tpu.dma_semaphore, #tpu.memory_space<semaphore_mem>>) {add = true}
        %dma_wait3A_429 = arith.constant 0 : i32
        %dma_wait3A_430 = tpu.memref_slice %arg7[%add3A_379, %dma_wait3A_429] : memref<160x128xi32, #tpu.memory_space<vmem>> -> memref<1x128xi32, #tpu.memory_space<vmem>>
        %dma_wait3A_431 = tpu.memref_squeeze %dma_wait3A_430 : memref<1x128xi32, #tpu.memory_space<vmem>> -> memref<128xi32, #tpu.memory_space<vmem>>
        %dma_wait3A_432 = arith.constant 0 : i32
        %dma_wait3A_433 = arith.constant 0 : i32
        %dma_wait3A_434 = tpu.memref_slice %arg16[%dma_wait3A_432, %dma_wait3A_433] : memref<10240x64xbf16, #tpu.memory_space<vmem_shared>> -> memref<10240x64xbf16, #tpu.memory_space<vmem_shared>>
        tpu.wait_indirect_dma semaphore(%run_scoped3A_422 : memref<!tpu.dma_semaphore, #tpu.memory_space<semaphore_mem>>) src(%arg14 : memref<128x64xbf16, #tpu.memory_space<vmem>>) dst(%dma_wait3A_434 : memref<10240x64xbf16, #tpu.memory_space<vmem_shared>>)
        tpu.yield
      }) : () -> ()
      %add3A_380 = arith.constant 6 : i32
      %add3A_381 = arith.addi %mul3A_198, %add3A_380 : i32
      %add3A_382 = arith.constant 8 : i32
      %add3A_383 = arith.addi %add3A_381, %add3A_382 : i32
      %dma_start3A_384 = arith.constant 0 : i32
      %dma_start3A_385 = tpu.memref_slice %arg6[%add3A_383, %dma_start3A_384] : memref<160x128xi32, #tpu.memory_space<vmem>> -> memref<1x128xi32, #tpu.memory_space<vmem>>
      %dma_start3A_386 = tpu.memref_squeeze %dma_start3A_385 : memref<1x128xi32, #tpu.memory_space<vmem>> -> memref<128xi32, #tpu.memory_space<vmem>>
      %dma_start3A_387 = arith.constant 0 : i32
      %dma_start3A_388 = arith.constant 0 : i32
      %dma_start3A_389 = tpu.memref_slice %arg4[%arg0, %dma_start3A_387, %dma_start3A_388] : memref<2x10240x64xbf16, #tpu.memory_space<hbm>> -> memref<1x10240x64xbf16, #tpu.memory_space<hbm>>
      %dma_start3A_390 = tpu.memref_squeeze %dma_start3A_389 : memref<1x10240x64xbf16, #tpu.memory_space<hbm>> -> memref<10240x64xbf16, #tpu.memory_space<hbm>>
      %dma_start3A_391 = arith.constant 0 : i32
      %dma_start3A_392 = arith.constant 0 : i32
      %dma_start3A_393 = tpu.memref_slice %dma_start3A_390[%dma_start3A_391, %dma_start3A_392] : memref<10240x64xbf16, #tpu.memory_space<hbm>> -> memref<10240x64xbf16, #tpu.memory_space<hbm>>
      tpu.enqueue_indirect_dma source(%dma_start3A_393 : memref<10240x64xbf16, #tpu.memory_space<hbm>>) target(%arg14 : memref<128x64xbf16, #tpu.memory_space<vmem>>) offsets(%dma_start3A_386 : memref<128xi32, #tpu.memory_space<vmem>>) semaphore(%arg23 : memref<!tpu.dma_semaphore, #tpu.memory_space<semaphore_mem>>)
      %add3A_394 = arith.constant 7 : i32
      %add3A_395 = arith.addi %mul3A_198, %add3A_394 : i32
      %dma_wait3A_396 = arith.constant 0 : i32
      %dma_wait3A_397 = tpu.memref_slice %arg6[%add3A_395, %dma_wait3A_396] : memref<160x128xi32, #tpu.memory_space<vmem>> -> memref<1x128xi32, #tpu.memory_space<vmem>>
      %dma_wait3A_398 = tpu.memref_squeeze %dma_wait3A_397 : memref<1x128xi32, #tpu.memory_space<vmem>> -> memref<128xi32, #tpu.memory_space<vmem>>
      %dma_wait3A_399 = arith.constant 0 : i32
      %dma_wait3A_400 = arith.constant 0 : i32
      %dma_wait3A_401 = tpu.memref_slice %arg4[%arg0, %dma_wait3A_399, %dma_wait3A_400] : memref<2x10240x64xbf16, #tpu.memory_space<hbm>> -> memref<1x10240x64xbf16, #tpu.memory_space<hbm>>
      %dma_wait3A_402 = tpu.memref_squeeze %dma_wait3A_401 : memref<1x10240x64xbf16, #tpu.memory_space<hbm>> -> memref<10240x64xbf16, #tpu.memory_space<hbm>>
      %dma_wait3A_403 = arith.constant 0 : i32
      %dma_wait3A_404 = arith.constant 0 : i32
      %dma_wait3A_405 = tpu.memref_slice %dma_wait3A_402[%dma_wait3A_403, %dma_wait3A_404] : memref<10240x64xbf16, #tpu.memory_space<hbm>> -> memref<10240x64xbf16, #tpu.memory_space<hbm>>
      tpu.wait_indirect_dma semaphore(%arg24 : memref<!tpu.dma_semaphore, #tpu.memory_space<semaphore_mem>>) src(%dma_wait3A_405 : memref<10240x64xbf16, #tpu.memory_space<hbm>>) dst(%arg15 : memref<128x64xbf16, #tpu.memory_space<vmem>>)
      %add3A_406 = arith.constant 7 : i32
      %add3A_407 = arith.addi %mul3A_198, %add3A_406 : i32
      "tpu.region"() ({
        %run_scoped3A_422 = tpu.sem_alloc : memref<!tpu.dma_semaphore, #tpu.memory_space<semaphore_mem>>
        %dma_start3A_423 = arith.constant 0 : i32
        %dma_start3A_424 = tpu.memref_slice %arg7[%add3A_407, %dma_start3A_423] : memref<160x128xi32, #tpu.memory_space<vmem>> -> memref<1x128xi32, #tpu.memory_space<vmem>>
        %dma_start3A_425 = tpu.memref_squeeze %dma_start3A_424 : memref<1x128xi32, #tpu.memory_space<vmem>> -> memref<128xi32, #tpu.memory_space<vmem>>
        %dma_start3A_426 = arith.constant 0 : i32
        %dma_start3A_427 = arith.constant 0 : i32
        %dma_start3A_428 = tpu.memref_slice %arg16[%dma_start3A_426, %dma_start3A_427] : memref<10240x64xbf16, #tpu.memory_space<vmem_shared>> -> memref<10240x64xbf16, #tpu.memory_space<vmem_shared>>
        tpu.enqueue_indirect_dma source(%arg15 : memref<128x64xbf16, #tpu.memory_space<vmem>>) target(%dma_start3A_428 : memref<10240x64xbf16, #tpu.memory_space<vmem_shared>>) offsets(%dma_start3A_425 : memref<128xi32, #tpu.memory_space<vmem>>) semaphore(%run_scoped3A_422 : memref<!tpu.dma_semaphore, #tpu.memory_space<semaphore_mem>>) {add = true}
        %dma_wait3A_429 = arith.constant 0 : i32
        %dma_wait3A_430 = tpu.memref_slice %arg7[%add3A_407, %dma_wait3A_429] : memref<160x128xi32, #tpu.memory_space<vmem>> -> memref<1x128xi32, #tpu.memory_space<vmem>>
        %dma_wait3A_431 = tpu.memref_squeeze %dma_wait3A_430 : memref<1x128xi32, #tpu.memory_space<vmem>> -> memref<128xi32, #tpu.memory_space<vmem>>
        %dma_wait3A_432 = arith.constant 0 : i32
        %dma_wait3A_433 = arith.constant 0 : i32
        %dma_wait3A_434 = tpu.memref_slice %arg16[%dma_wait3A_432, %dma_wait3A_433] : memref<10240x64xbf16, #tpu.memory_space<vmem_shared>> -> memref<10240x64xbf16, #tpu.memory_space<vmem_shared>>
        tpu.wait_indirect_dma semaphore(%run_scoped3A_422 : memref<!tpu.dma_semaphore, #tpu.memory_space<semaphore_mem>>) src(%arg15 : memref<128x64xbf16, #tpu.memory_space<vmem>>) dst(%dma_wait3A_434 : memref<10240x64xbf16, #tpu.memory_space<vmem_shared>>)
        tpu.yield
      }) : () -> ()
      %add3A_408 = arith.constant 7 : i32
      %add3A_409 = arith.addi %mul3A_198, %add3A_408 : i32
      %add3A_410 = arith.constant 8 : i32
      %add3A_411 = arith.addi %add3A_409, %add3A_410 : i32
      %dma_start3A_412 = arith.constant 0 : i32
      %dma_start3A_413 = tpu.memref_slice %arg6[%add3A_411, %dma_start3A_412] : memref<160x128xi32, #tpu.memory_space<vmem>> -> memref<1x128xi32, #tpu.memory_space<vmem>>
      %dma_start3A_414 = tpu.memref_squeeze %dma_start3A_413 : memref<1x128xi32, #tpu.memory_space<vmem>> -> memref<128xi32, #tpu.memory_space<vmem>>
      %dma_start3A_415 = arith.constant 0 : i32
      %dma_start3A_416 = arith.constant 0 : i32
      %dma_start3A_417 = tpu.memref_slice %arg4[%arg0, %dma_start3A_415, %dma_start3A_416] : memref<2x10240x64xbf16, #tpu.memory_space<hbm>> -> memref<1x10240x64xbf16, #tpu.memory_space<hbm>>
      %dma_start3A_418 = tpu.memref_squeeze %dma_start3A_417 : memref<1x10240x64xbf16, #tpu.memory_space<hbm>> -> memref<10240x64xbf16, #tpu.memory_space<hbm>>
      %dma_start3A_419 = arith.constant 0 : i32
      %dma_start3A_420 = arith.constant 0 : i32
      %dma_start3A_421 = tpu.memref_slice %dma_start3A_418[%dma_start3A_419, %dma_start3A_420] : memref<10240x64xbf16, #tpu.memory_space<hbm>> -> memref<10240x64xbf16, #tpu.memory_space<hbm>>
      tpu.enqueue_indirect_dma source(%dma_start3A_421 : memref<10240x64xbf16, #tpu.memory_space<hbm>>) target(%arg15 : memref<128x64xbf16, #tpu.memory_space<vmem>>) offsets(%dma_start3A_414 : memref<128xi32, #tpu.memory_space<vmem>>) semaphore(%arg24 : memref<!tpu.dma_semaphore, #tpu.memory_space<semaphore_mem>>)
    }
    %scan3A_94 = arith.constant 19 : i32
    %dma_wait3A = arith.constant 152 : i32
    %dma_wait3A_95 = arith.constant 0 : i32
    %dma_wait3A_96 = tpu.memref_slice %arg6[%dma_wait3A, %dma_wait3A_95] : memref<160x128xi32, #tpu.memory_space<vmem>> -> memref<1x128xi32, #tpu.memory_space<vmem>>
    %dma_wait3A_97 = tpu.memref_squeeze %dma_wait3A_96 : memref<1x128xi32, #tpu.memory_space<vmem>> -> memref<128xi32, #tpu.memory_space<vmem>>
    %dma_wait3A_98 = arith.constant 0 : i32
    %dma_wait3A_99 = arith.constant 0 : i32
    %dma_wait3A_100 = tpu.memref_slice %arg4[%arg0, %dma_wait3A_98, %dma_wait3A_99] : memref<2x10240x64xbf16, #tpu.memory_space<hbm>> -> memref<1x10240x64xbf16, #tpu.memory_space<hbm>>
    %dma_wait3A_101 = tpu.memref_squeeze %dma_wait3A_100 : memref<1x10240x64xbf16, #tpu.memory_space<hbm>> -> memref<10240x64xbf16, #tpu.memory_space<hbm>>
    %dma_wait3A_102 = arith.constant 0 : i32
    %dma_wait3A_103 = arith.constant 0 : i32
    %dma_wait3A_104 = tpu.memref_slice %dma_wait3A_101[%dma_wait3A_102, %dma_wait3A_103] : memref<10240x64xbf16, #tpu.memory_space<hbm>> -> memref<10240x64xbf16, #tpu.memory_space<hbm>>
    tpu.wait_indirect_dma semaphore(%arg17 : memref<!tpu.dma_semaphore, #tpu.memory_space<semaphore_mem>>) src(%dma_wait3A_104 : memref<10240x64xbf16, #tpu.memory_space<hbm>>) dst(%arg8 : memref<128x64xbf16, #tpu.memory_space<vmem>>)
    %run_scoped3A = arith.constant 152 : i32
    "tpu.region"() ({
      %run_scoped3A_196 = tpu.sem_alloc : memref<!tpu.dma_semaphore, #tpu.memory_space<semaphore_mem>>
      %dma_start3A_197 = arith.constant 0 : i32
      %dma_start3A_198 = tpu.memref_slice %arg7[%run_scoped3A, %dma_start3A_197] : memref<160x128xi32, #tpu.memory_space<vmem>> -> memref<1x128xi32, #tpu.memory_space<vmem>>
      %dma_start3A_199 = tpu.memref_squeeze %dma_start3A_198 : memref<1x128xi32, #tpu.memory_space<vmem>> -> memref<128xi32, #tpu.memory_space<vmem>>
      %dma_start3A_200 = arith.constant 0 : i32
      %dma_start3A_201 = arith.constant 0 : i32
      %dma_start3A_202 = tpu.memref_slice %arg16[%dma_start3A_200, %dma_start3A_201] : memref<10240x64xbf16, #tpu.memory_space<vmem_shared>> -> memref<10240x64xbf16, #tpu.memory_space<vmem_shared>>
      tpu.enqueue_indirect_dma source(%arg8 : memref<128x64xbf16, #tpu.memory_space<vmem>>) target(%dma_start3A_202 : memref<10240x64xbf16, #tpu.memory_space<vmem_shared>>) offsets(%dma_start3A_199 : memref<128xi32, #tpu.memory_space<vmem>>) semaphore(%run_scoped3A_196 : memref<!tpu.dma_semaphore, #tpu.memory_space<semaphore_mem>>) {add = true}
      %dma_wait3A_203 = arith.constant 0 : i32
      %dma_wait3A_204 = tpu.memref_slice %arg7[%run_scoped3A, %dma_wait3A_203] : memref<160x128xi32, #tpu.memory_space<vmem>> -> memref<1x128xi32, #tpu.memory_space<vmem>>
      %dma_wait3A_205 = tpu.memref_squeeze %dma_wait3A_204 : memref<1x128xi32, #tpu.memory_space<vmem>> -> memref<128xi32, #tpu.memory_space<vmem>>
      %dma_wait3A_206 = arith.constant 0 : i32
      %dma_wait3A_207 = arith.constant 0 : i32
      %dma_wait3A_208 = tpu.memref_slice %arg16[%dma_wait3A_206, %dma_wait3A_207] : memref<10240x64xbf16, #tpu.memory_space<vmem_shared>> -> memref<10240x64xbf16, #tpu.memory_space<vmem_shared>>
      tpu.wait_indirect_dma semaphore(%run_scoped3A_196 : memref<!tpu.dma_semaphore, #tpu.memory_space<semaphore_mem>>) src(%arg8 : memref<128x64xbf16, #tpu.memory_space<vmem>>) dst(%dma_wait3A_208 : memref<10240x64xbf16, #tpu.memory_space<vmem_shared>>)
      tpu.yield
    }) : () -> ()
    %dma_wait3A_105 = arith.constant 153 : i32
    %dma_wait3A_106 = arith.constant 0 : i32
    %dma_wait3A_107 = tpu.memref_slice %arg6[%dma_wait3A_105, %dma_wait3A_106] : memref<160x128xi32, #tpu.memory_space<vmem>> -> memref<1x128xi32, #tpu.memory_space<vmem>>
    %dma_wait3A_108 = tpu.memref_squeeze %dma_wait3A_107 : memref<1x128xi32, #tpu.memory_space<vmem>> -> memref<128xi32, #tpu.memory_space<vmem>>
    %dma_wait3A_109 = arith.constant 0 : i32
    %dma_wait3A_110 = arith.constant 0 : i32
    %dma_wait3A_111 = tpu.memref_slice %arg4[%arg0, %dma_wait3A_109, %dma_wait3A_110] : memref<2x10240x64xbf16, #tpu.memory_space<hbm>> -> memref<1x10240x64xbf16, #tpu.memory_space<hbm>>
    %dma_wait3A_112 = tpu.memref_squeeze %dma_wait3A_111 : memref<1x10240x64xbf16, #tpu.memory_space<hbm>> -> memref<10240x64xbf16, #tpu.memory_space<hbm>>
    %dma_wait3A_113 = arith.constant 0 : i32
    %dma_wait3A_114 = arith.constant 0 : i32
    %dma_wait3A_115 = tpu.memref_slice %dma_wait3A_112[%dma_wait3A_113, %dma_wait3A_114] : memref<10240x64xbf16, #tpu.memory_space<hbm>> -> memref<10240x64xbf16, #tpu.memory_space<hbm>>
    tpu.wait_indirect_dma semaphore(%arg18 : memref<!tpu.dma_semaphore, #tpu.memory_space<semaphore_mem>>) src(%dma_wait3A_115 : memref<10240x64xbf16, #tpu.memory_space<hbm>>) dst(%arg9 : memref<128x64xbf16, #tpu.memory_space<vmem>>)
    %run_scoped3A_116 = arith.constant 153 : i32
    "tpu.region"() ({
      %run_scoped3A_196 = tpu.sem_alloc : memref<!tpu.dma_semaphore, #tpu.memory_space<semaphore_mem>>
      %dma_start3A_197 = arith.constant 0 : i32
      %dma_start3A_198 = tpu.memref_slice %arg7[%run_scoped3A_116, %dma_start3A_197] : memref<160x128xi32, #tpu.memory_space<vmem>> -> memref<1x128xi32, #tpu.memory_space<vmem>>
      %dma_start3A_199 = tpu.memref_squeeze %dma_start3A_198 : memref<1x128xi32, #tpu.memory_space<vmem>> -> memref<128xi32, #tpu.memory_space<vmem>>
      %dma_start3A_200 = arith.constant 0 : i32
      %dma_start3A_201 = arith.constant 0 : i32
      %dma_start3A_202 = tpu.memref_slice %arg16[%dma_start3A_200, %dma_start3A_201] : memref<10240x64xbf16, #tpu.memory_space<vmem_shared>> -> memref<10240x64xbf16, #tpu.memory_space<vmem_shared>>
      tpu.enqueue_indirect_dma source(%arg9 : memref<128x64xbf16, #tpu.memory_space<vmem>>) target(%dma_start3A_202 : memref<10240x64xbf16, #tpu.memory_space<vmem_shared>>) offsets(%dma_start3A_199 : memref<128xi32, #tpu.memory_space<vmem>>) semaphore(%run_scoped3A_196 : memref<!tpu.dma_semaphore, #tpu.memory_space<semaphore_mem>>) {add = true}
      %dma_wait3A_203 = arith.constant 0 : i32
      %dma_wait3A_204 = tpu.memref_slice %arg7[%run_scoped3A_116, %dma_wait3A_203] : memref<160x128xi32, #tpu.memory_space<vmem>> -> memref<1x128xi32, #tpu.memory_space<vmem>>
      %dma_wait3A_205 = tpu.memref_squeeze %dma_wait3A_204 : memref<1x128xi32, #tpu.memory_space<vmem>> -> memref<128xi32, #tpu.memory_space<vmem>>
      %dma_wait3A_206 = arith.constant 0 : i32
      %dma_wait3A_207 = arith.constant 0 : i32
      %dma_wait3A_208 = tpu.memref_slice %arg16[%dma_wait3A_206, %dma_wait3A_207] : memref<10240x64xbf16, #tpu.memory_space<vmem_shared>> -> memref<10240x64xbf16, #tpu.memory_space<vmem_shared>>
      tpu.wait_indirect_dma semaphore(%run_scoped3A_196 : memref<!tpu.dma_semaphore, #tpu.memory_space<semaphore_mem>>) src(%arg9 : memref<128x64xbf16, #tpu.memory_space<vmem>>) dst(%dma_wait3A_208 : memref<10240x64xbf16, #tpu.memory_space<vmem_shared>>)
      tpu.yield
    }) : () -> ()
    %dma_wait3A_117 = arith.constant 154 : i32
    %dma_wait3A_118 = arith.constant 0 : i32
    %dma_wait3A_119 = tpu.memref_slice %arg6[%dma_wait3A_117, %dma_wait3A_118] : memref<160x128xi32, #tpu.memory_space<vmem>> -> memref<1x128xi32, #tpu.memory_space<vmem>>
    %dma_wait3A_120 = tpu.memref_squeeze %dma_wait3A_119 : memref<1x128xi32, #tpu.memory_space<vmem>> -> memref<128xi32, #tpu.memory_space<vmem>>
    %dma_wait3A_121 = arith.constant 0 : i32
    %dma_wait3A_122 = arith.constant 0 : i32
    %dma_wait3A_123 = tpu.memref_slice %arg4[%arg0, %dma_wait3A_121, %dma_wait3A_122] : memref<2x10240x64xbf16, #tpu.memory_space<hbm>> -> memref<1x10240x64xbf16, #tpu.memory_space<hbm>>
    %dma_wait3A_124 = tpu.memref_squeeze %dma_wait3A_123 : memref<1x10240x64xbf16, #tpu.memory_space<hbm>> -> memref<10240x64xbf16, #tpu.memory_space<hbm>>
    %dma_wait3A_125 = arith.constant 0 : i32
    %dma_wait3A_126 = arith.constant 0 : i32
    %dma_wait3A_127 = tpu.memref_slice %dma_wait3A_124[%dma_wait3A_125, %dma_wait3A_126] : memref<10240x64xbf16, #tpu.memory_space<hbm>> -> memref<10240x64xbf16, #tpu.memory_space<hbm>>
    tpu.wait_indirect_dma semaphore(%arg19 : memref<!tpu.dma_semaphore, #tpu.memory_space<semaphore_mem>>) src(%dma_wait3A_127 : memref<10240x64xbf16, #tpu.memory_space<hbm>>) dst(%arg10 : memref<128x64xbf16, #tpu.memory_space<vmem>>)
    %run_scoped3A_128 = arith.constant 154 : i32
    "tpu.region"() ({
      %run_scoped3A_196 = tpu.sem_alloc : memref<!tpu.dma_semaphore, #tpu.memory_space<semaphore_mem>>
      %dma_start3A_197 = arith.constant 0 : i32
      %dma_start3A_198 = tpu.memref_slice %arg7[%run_scoped3A_128, %dma_start3A_197] : memref<160x128xi32, #tpu.memory_space<vmem>> -> memref<1x128xi32, #tpu.memory_space<vmem>>
      %dma_start3A_199 = tpu.memref_squeeze %dma_start3A_198 : memref<1x128xi32, #tpu.memory_space<vmem>> -> memref<128xi32, #tpu.memory_space<vmem>>
      %dma_start3A_200 = arith.constant 0 : i32
      %dma_start3A_201 = arith.constant 0 : i32
      %dma_start3A_202 = tpu.memref_slice %arg16[%dma_start3A_200, %dma_start3A_201] : memref<10240x64xbf16, #tpu.memory_space<vmem_shared>> -> memref<10240x64xbf16, #tpu.memory_space<vmem_shared>>
      tpu.enqueue_indirect_dma source(%arg10 : memref<128x64xbf16, #tpu.memory_space<vmem>>) target(%dma_start3A_202 : memref<10240x64xbf16, #tpu.memory_space<vmem_shared>>) offsets(%dma_start3A_199 : memref<128xi32, #tpu.memory_space<vmem>>) semaphore(%run_scoped3A_196 : memref<!tpu.dma_semaphore, #tpu.memory_space<semaphore_mem>>) {add = true}
      %dma_wait3A_203 = arith.constant 0 : i32
      %dma_wait3A_204 = tpu.memref_slice %arg7[%run_scoped3A_128, %dma_wait3A_203] : memref<160x128xi32, #tpu.memory_space<vmem>> -> memref<1x128xi32, #tpu.memory_space<vmem>>
      %dma_wait3A_205 = tpu.memref_squeeze %dma_wait3A_204 : memref<1x128xi32, #tpu.memory_space<vmem>> -> memref<128xi32, #tpu.memory_space<vmem>>
      %dma_wait3A_206 = arith.constant 0 : i32
      %dma_wait3A_207 = arith.constant 0 : i32
      %dma_wait3A_208 = tpu.memref_slice %arg16[%dma_wait3A_206, %dma_wait3A_207] : memref<10240x64xbf16, #tpu.memory_space<vmem_shared>> -> memref<10240x64xbf16, #tpu.memory_space<vmem_shared>>
      tpu.wait_indirect_dma semaphore(%run_scoped3A_196 : memref<!tpu.dma_semaphore, #tpu.memory_space<semaphore_mem>>) src(%arg10 : memref<128x64xbf16, #tpu.memory_space<vmem>>) dst(%dma_wait3A_208 : memref<10240x64xbf16, #tpu.memory_space<vmem_shared>>)
      tpu.yield
    }) : () -> ()
    %dma_wait3A_129 = arith.constant 155 : i32
    %dma_wait3A_130 = arith.constant 0 : i32
    %dma_wait3A_131 = tpu.memref_slice %arg6[%dma_wait3A_129, %dma_wait3A_130] : memref<160x128xi32, #tpu.memory_space<vmem>> -> memref<1x128xi32, #tpu.memory_space<vmem>>
    %dma_wait3A_132 = tpu.memref_squeeze %dma_wait3A_131 : memref<1x128xi32, #tpu.memory_space<vmem>> -> memref<128xi32, #tpu.memory_space<vmem>>
    %dma_wait3A_133 = arith.constant 0 : i32
    %dma_wait3A_134 = arith.constant 0 : i32
    %dma_wait3A_135 = tpu.memref_slice %arg4[%arg0, %dma_wait3A_133, %dma_wait3A_134] : memref<2x10240x64xbf16, #tpu.memory_space<hbm>> -> memref<1x10240x64xbf16, #tpu.memory_space<hbm>>
    %dma_wait3A_136 = tpu.memref_squeeze %dma_wait3A_135 : memref<1x10240x64xbf16, #tpu.memory_space<hbm>> -> memref<10240x64xbf16, #tpu.memory_space<hbm>>
    %dma_wait3A_137 = arith.constant 0 : i32
    %dma_wait3A_138 = arith.constant 0 : i32
    %dma_wait3A_139 = tpu.memref_slice %dma_wait3A_136[%dma_wait3A_137, %dma_wait3A_138] : memref<10240x64xbf16, #tpu.memory_space<hbm>> -> memref<10240x64xbf16, #tpu.memory_space<hbm>>
    tpu.wait_indirect_dma semaphore(%arg20 : memref<!tpu.dma_semaphore, #tpu.memory_space<semaphore_mem>>) src(%dma_wait3A_139 : memref<10240x64xbf16, #tpu.memory_space<hbm>>) dst(%arg11 : memref<128x64xbf16, #tpu.memory_space<vmem>>)
    %run_scoped3A_140 = arith.constant 155 : i32
    "tpu.region"() ({
      %run_scoped3A_196 = tpu.sem_alloc : memref<!tpu.dma_semaphore, #tpu.memory_space<semaphore_mem>>
      %dma_start3A_197 = arith.constant 0 : i32
      %dma_start3A_198 = tpu.memref_slice %arg7[%run_scoped3A_140, %dma_start3A_197] : memref<160x128xi32, #tpu.memory_space<vmem>> -> memref<1x128xi32, #tpu.memory_space<vmem>>
      %dma_start3A_199 = tpu.memref_squeeze %dma_start3A_198 : memref<1x128xi32, #tpu.memory_space<vmem>> -> memref<128xi32, #tpu.memory_space<vmem>>
      %dma_start3A_200 = arith.constant 0 : i32
      %dma_start3A_201 = arith.constant 0 : i32
      %dma_start3A_202 = tpu.memref_slice %arg16[%dma_start3A_200, %dma_start3A_201] : memref<10240x64xbf16, #tpu.memory_space<vmem_shared>> -> memref<10240x64xbf16, #tpu.memory_space<vmem_shared>>
      tpu.enqueue_indirect_dma source(%arg11 : memref<128x64xbf16, #tpu.memory_space<vmem>>) target(%dma_start3A_202 : memref<10240x64xbf16, #tpu.memory_space<vmem_shared>>) offsets(%dma_start3A_199 : memref<128xi32, #tpu.memory_space<vmem>>) semaphore(%run_scoped3A_196 : memref<!tpu.dma_semaphore, #tpu.memory_space<semaphore_mem>>) {add = true}
      %dma_wait3A_203 = arith.constant 0 : i32
      %dma_wait3A_204 = tpu.memref_slice %arg7[%run_scoped3A_140, %dma_wait3A_203] : memref<160x128xi32, #tpu.memory_space<vmem>> -> memref<1x128xi32, #tpu.memory_space<vmem>>
      %dma_wait3A_205 = tpu.memref_squeeze %dma_wait3A_204 : memref<1x128xi32, #tpu.memory_space<vmem>> -> memref<128xi32, #tpu.memory_space<vmem>>
      %dma_wait3A_206 = arith.constant 0 : i32
      %dma_wait3A_207 = arith.constant 0 : i32
      %dma_wait3A_208 = tpu.memref_slice %arg16[%dma_wait3A_206, %dma_wait3A_207] : memref<10240x64xbf16, #tpu.memory_space<vmem_shared>> -> memref<10240x64xbf16, #tpu.memory_space<vmem_shared>>
      tpu.wait_indirect_dma semaphore(%run_scoped3A_196 : memref<!tpu.dma_semaphore, #tpu.memory_space<semaphore_mem>>) src(%arg11 : memref<128x64xbf16, #tpu.memory_space<vmem>>) dst(%dma_wait3A_208 : memref<10240x64xbf16, #tpu.memory_space<vmem_shared>>)
      tpu.yield
    }) : () -> ()
    %dma_wait3A_141 = arith.constant 156 : i32
    %dma_wait3A_142 = arith.constant 0 : i32
    %dma_wait3A_143 = tpu.memref_slice %arg6[%dma_wait3A_141, %dma_wait3A_142] : memref<160x128xi32, #tpu.memory_space<vmem>> -> memref<1x128xi32, #tpu.memory_space<vmem>>
    %dma_wait3A_144 = tpu.memref_squeeze %dma_wait3A_143 : memref<1x128xi32, #tpu.memory_space<vmem>> -> memref<128xi32, #tpu.memory_space<vmem>>
    %dma_wait3A_145 = arith.constant 0 : i32
    %dma_wait3A_146 = arith.constant 0 : i32
    %dma_wait3A_147 = tpu.memref_slice %arg4[%arg0, %dma_wait3A_145, %dma_wait3A_146] : memref<2x10240x64xbf16, #tpu.memory_space<hbm>> -> memref<1x10240x64xbf16, #tpu.memory_space<hbm>>
    %dma_wait3A_148 = tpu.memref_squeeze %dma_wait3A_147 : memref<1x10240x64xbf16, #tpu.memory_space<hbm>> -> memref<10240x64xbf16, #tpu.memory_space<hbm>>
    %dma_wait3A_149 = arith.constant 0 : i32
    %dma_wait3A_150 = arith.constant 0 : i32
    %dma_wait3A_151 = tpu.memref_slice %dma_wait3A_148[%dma_wait3A_149, %dma_wait3A_150] : memref<10240x64xbf16, #tpu.memory_space<hbm>> -> memref<10240x64xbf16, #tpu.memory_space<hbm>>
    tpu.wait_indirect_dma semaphore(%arg21 : memref<!tpu.dma_semaphore, #tpu.memory_space<semaphore_mem>>) src(%dma_wait3A_151 : memref<10240x64xbf16, #tpu.memory_space<hbm>>) dst(%arg12 : memref<128x64xbf16, #tpu.memory_space<vmem>>)
    %run_scoped3A_152 = arith.constant 156 : i32
    "tpu.region"() ({
      %run_scoped3A_196 = tpu.sem_alloc : memref<!tpu.dma_semaphore, #tpu.memory_space<semaphore_mem>>
      %dma_start3A_197 = arith.constant 0 : i32
      %dma_start3A_198 = tpu.memref_slice %arg7[%run_scoped3A_152, %dma_start3A_197] : memref<160x128xi32, #tpu.memory_space<vmem>> -> memref<1x128xi32, #tpu.memory_space<vmem>>
      %dma_start3A_199 = tpu.memref_squeeze %dma_start3A_198 : memref<1x128xi32, #tpu.memory_space<vmem>> -> memref<128xi32, #tpu.memory_space<vmem>>
      %dma_start3A_200 = arith.constant 0 : i32
      %dma_start3A_201 = arith.constant 0 : i32
      %dma_start3A_202 = tpu.memref_slice %arg16[%dma_start3A_200, %dma_start3A_201] : memref<10240x64xbf16, #tpu.memory_space<vmem_shared>> -> memref<10240x64xbf16, #tpu.memory_space<vmem_shared>>
      tpu.enqueue_indirect_dma source(%arg12 : memref<128x64xbf16, #tpu.memory_space<vmem>>) target(%dma_start3A_202 : memref<10240x64xbf16, #tpu.memory_space<vmem_shared>>) offsets(%dma_start3A_199 : memref<128xi32, #tpu.memory_space<vmem>>) semaphore(%run_scoped3A_196 : memref<!tpu.dma_semaphore, #tpu.memory_space<semaphore_mem>>) {add = true}
      %dma_wait3A_203 = arith.constant 0 : i32
      %dma_wait3A_204 = tpu.memref_slice %arg7[%run_scoped3A_152, %dma_wait3A_203] : memref<160x128xi32, #tpu.memory_space<vmem>> -> memref<1x128xi32, #tpu.memory_space<vmem>>
      %dma_wait3A_205 = tpu.memref_squeeze %dma_wait3A_204 : memref<1x128xi32, #tpu.memory_space<vmem>> -> memref<128xi32, #tpu.memory_space<vmem>>
      %dma_wait3A_206 = arith.constant 0 : i32
      %dma_wait3A_207 = arith.constant 0 : i32
      %dma_wait3A_208 = tpu.memref_slice %arg16[%dma_wait3A_206, %dma_wait3A_207] : memref<10240x64xbf16, #tpu.memory_space<vmem_shared>> -> memref<10240x64xbf16, #tpu.memory_space<vmem_shared>>
      tpu.wait_indirect_dma semaphore(%run_scoped3A_196 : memref<!tpu.dma_semaphore, #tpu.memory_space<semaphore_mem>>) src(%arg12 : memref<128x64xbf16, #tpu.memory_space<vmem>>) dst(%dma_wait3A_208 : memref<10240x64xbf16, #tpu.memory_space<vmem_shared>>)
      tpu.yield
    }) : () -> ()
    %dma_wait3A_153 = arith.constant 157 : i32
    %dma_wait3A_154 = arith.constant 0 : i32
    %dma_wait3A_155 = tpu.memref_slice %arg6[%dma_wait3A_153, %dma_wait3A_154] : memref<160x128xi32, #tpu.memory_space<vmem>> -> memref<1x128xi32, #tpu.memory_space<vmem>>
    %dma_wait3A_156 = tpu.memref_squeeze %dma_wait3A_155 : memref<1x128xi32, #tpu.memory_space<vmem>> -> memref<128xi32, #tpu.memory_space<vmem>>
    %dma_wait3A_157 = arith.constant 0 : i32
    %dma_wait3A_158 = arith.constant 0 : i32
    %dma_wait3A_159 = tpu.memref_slice %arg4[%arg0, %dma_wait3A_157, %dma_wait3A_158] : memref<2x10240x64xbf16, #tpu.memory_space<hbm>> -> memref<1x10240x64xbf16, #tpu.memory_space<hbm>>
    %dma_wait3A_160 = tpu.memref_squeeze %dma_wait3A_159 : memref<1x10240x64xbf16, #tpu.memory_space<hbm>> -> memref<10240x64xbf16, #tpu.memory_space<hbm>>
    %dma_wait3A_161 = arith.constant 0 : i32
    %dma_wait3A_162 = arith.constant 0 : i32
    %dma_wait3A_163 = tpu.memref_slice %dma_wait3A_160[%dma_wait3A_161, %dma_wait3A_162] : memref<10240x64xbf16, #tpu.memory_space<hbm>> -> memref<10240x64xbf16, #tpu.memory_space<hbm>>
    tpu.wait_indirect_dma semaphore(%arg22 : memref<!tpu.dma_semaphore, #tpu.memory_space<semaphore_mem>>) src(%dma_wait3A_163 : memref<10240x64xbf16, #tpu.memory_space<hbm>>) dst(%arg13 : memref<128x64xbf16, #tpu.memory_space<vmem>>)
    %run_scoped3A_164 = arith.constant 157 : i32
    "tpu.region"() ({
      %run_scoped3A_196 = tpu.sem_alloc : memref<!tpu.dma_semaphore, #tpu.memory_space<semaphore_mem>>
      %dma_start3A_197 = arith.constant 0 : i32
      %dma_start3A_198 = tpu.memref_slice %arg7[%run_scoped3A_164, %dma_start3A_197] : memref<160x128xi32, #tpu.memory_space<vmem>> -> memref<1x128xi32, #tpu.memory_space<vmem>>
      %dma_start3A_199 = tpu.memref_squeeze %dma_start3A_198 : memref<1x128xi32, #tpu.memory_space<vmem>> -> memref<128xi32, #tpu.memory_space<vmem>>
      %dma_start3A_200 = arith.constant 0 : i32
      %dma_start3A_201 = arith.constant 0 : i32
      %dma_start3A_202 = tpu.memref_slice %arg16[%dma_start3A_200, %dma_start3A_201] : memref<10240x64xbf16, #tpu.memory_space<vmem_shared>> -> memref<10240x64xbf16, #tpu.memory_space<vmem_shared>>
      tpu.enqueue_indirect_dma source(%arg13 : memref<128x64xbf16, #tpu.memory_space<vmem>>) target(%dma_start3A_202 : memref<10240x64xbf16, #tpu.memory_space<vmem_shared>>) offsets(%dma_start3A_199 : memref<128xi32, #tpu.memory_space<vmem>>) semaphore(%run_scoped3A_196 : memref<!tpu.dma_semaphore, #tpu.memory_space<semaphore_mem>>) {add = true}
      %dma_wait3A_203 = arith.constant 0 : i32
      %dma_wait3A_204 = tpu.memref_slice %arg7[%run_scoped3A_164, %dma_wait3A_203] : memref<160x128xi32, #tpu.memory_space<vmem>> -> memref<1x128xi32, #tpu.memory_space<vmem>>
      %dma_wait3A_205 = tpu.memref_squeeze %dma_wait3A_204 : memref<1x128xi32, #tpu.memory_space<vmem>> -> memref<128xi32, #tpu.memory_space<vmem>>
      %dma_wait3A_206 = arith.constant 0 : i32
      %dma_wait3A_207 = arith.constant 0 : i32
      %dma_wait3A_208 = tpu.memref_slice %arg16[%dma_wait3A_206, %dma_wait3A_207] : memref<10240x64xbf16, #tpu.memory_space<vmem_shared>> -> memref<10240x64xbf16, #tpu.memory_space<vmem_shared>>
      tpu.wait_indirect_dma semaphore(%run_scoped3A_196 : memref<!tpu.dma_semaphore, #tpu.memory_space<semaphore_mem>>) src(%arg13 : memref<128x64xbf16, #tpu.memory_space<vmem>>) dst(%dma_wait3A_208 : memref<10240x64xbf16, #tpu.memory_space<vmem_shared>>)
      tpu.yield
    }) : () -> ()
    %dma_wait3A_165 = arith.constant 158 : i32
    %dma_wait3A_166 = arith.constant 0 : i32
    %dma_wait3A_167 = tpu.memref_slice %arg6[%dma_wait3A_165, %dma_wait3A_166] : memref<160x128xi32, #tpu.memory_space<vmem>> -> memref<1x128xi32, #tpu.memory_space<vmem>>
    %dma_wait3A_168 = tpu.memref_squeeze %dma_wait3A_167 : memref<1x128xi32, #tpu.memory_space<vmem>> -> memref<128xi32, #tpu.memory_space<vmem>>
    %dma_wait3A_169 = arith.constant 0 : i32
    %dma_wait3A_170 = arith.constant 0 : i32
    %dma_wait3A_171 = tpu.memref_slice %arg4[%arg0, %dma_wait3A_169, %dma_wait3A_170] : memref<2x10240x64xbf16, #tpu.memory_space<hbm>> -> memref<1x10240x64xbf16, #tpu.memory_space<hbm>>
    %dma_wait3A_172 = tpu.memref_squeeze %dma_wait3A_171 : memref<1x10240x64xbf16, #tpu.memory_space<hbm>> -> memref<10240x64xbf16, #tpu.memory_space<hbm>>
    %dma_wait3A_173 = arith.constant 0 : i32
    %dma_wait3A_174 = arith.constant 0 : i32
    %dma_wait3A_175 = tpu.memref_slice %dma_wait3A_172[%dma_wait3A_173, %dma_wait3A_174] : memref<10240x64xbf16, #tpu.memory_space<hbm>> -> memref<10240x64xbf16, #tpu.memory_space<hbm>>
    tpu.wait_indirect_dma semaphore(%arg23 : memref<!tpu.dma_semaphore, #tpu.memory_space<semaphore_mem>>) src(%dma_wait3A_175 : memref<10240x64xbf16, #tpu.memory_space<hbm>>) dst(%arg14 : memref<128x64xbf16, #tpu.memory_space<vmem>>)
    %run_scoped3A_176 = arith.constant 158 : i32
    "tpu.region"() ({
      %run_scoped3A_196 = tpu.sem_alloc : memref<!tpu.dma_semaphore, #tpu.memory_space<semaphore_mem>>
      %dma_start3A_197 = arith.constant 0 : i32
      %dma_start3A_198 = tpu.memref_slice %arg7[%run_scoped3A_176, %dma_start3A_197] : memref<160x128xi32, #tpu.memory_space<vmem>> -> memref<1x128xi32, #tpu.memory_space<vmem>>
      %dma_start3A_199 = tpu.memref_squeeze %dma_start3A_198 : memref<1x128xi32, #tpu.memory_space<vmem>> -> memref<128xi32, #tpu.memory_space<vmem>>
      %dma_start3A_200 = arith.constant 0 : i32
      %dma_start3A_201 = arith.constant 0 : i32
      %dma_start3A_202 = tpu.memref_slice %arg16[%dma_start3A_200, %dma_start3A_201] : memref<10240x64xbf16, #tpu.memory_space<vmem_shared>> -> memref<10240x64xbf16, #tpu.memory_space<vmem_shared>>
      tpu.enqueue_indirect_dma source(%arg14 : memref<128x64xbf16, #tpu.memory_space<vmem>>) target(%dma_start3A_202 : memref<10240x64xbf16, #tpu.memory_space<vmem_shared>>) offsets(%dma_start3A_199 : memref<128xi32, #tpu.memory_space<vmem>>) semaphore(%run_scoped3A_196 : memref<!tpu.dma_semaphore, #tpu.memory_space<semaphore_mem>>) {add = true}
      %dma_wait3A_203 = arith.constant 0 : i32
      %dma_wait3A_204 = tpu.memref_slice %arg7[%run_scoped3A_176, %dma_wait3A_203] : memref<160x128xi32, #tpu.memory_space<vmem>> -> memref<1x128xi32, #tpu.memory_space<vmem>>
      %dma_wait3A_205 = tpu.memref_squeeze %dma_wait3A_204 : memref<1x128xi32, #tpu.memory_space<vmem>> -> memref<128xi32, #tpu.memory_space<vmem>>
      %dma_wait3A_206 = arith.constant 0 : i32
      %dma_wait3A_207 = arith.constant 0 : i32
      %dma_wait3A_208 = tpu.memref_slice %arg16[%dma_wait3A_206, %dma_wait3A_207] : memref<10240x64xbf16, #tpu.memory_space<vmem_shared>> -> memref<10240x64xbf16, #tpu.memory_space<vmem_shared>>
      tpu.wait_indirect_dma semaphore(%run_scoped3A_196 : memref<!tpu.dma_semaphore, #tpu.memory_space<semaphore_mem>>) src(%arg14 : memref<128x64xbf16, #tpu.memory_space<vmem>>) dst(%dma_wait3A_208 : memref<10240x64xbf16, #tpu.memory_space<vmem_shared>>)
      tpu.yield
    }) : () -> ()
    %dma_wait3A_177 = arith.constant 159 : i32
    %dma_wait3A_178 = arith.constant 0 : i32
    %dma_wait3A_179 = tpu.memref_slice %arg6[%dma_wait3A_177, %dma_wait3A_178] : memref<160x128xi32, #tpu.memory_space<vmem>> -> memref<1x128xi32, #tpu.memory_space<vmem>>
    %dma_wait3A_180 = tpu.memref_squeeze %dma_wait3A_179 : memref<1x128xi32, #tpu.memory_space<vmem>> -> memref<128xi32, #tpu.memory_space<vmem>>
    %dma_wait3A_181 = arith.constant 0 : i32
    %dma_wait3A_182 = arith.constant 0 : i32
    %dma_wait3A_183 = tpu.memref_slice %arg4[%arg0, %dma_wait3A_181, %dma_wait3A_182] : memref<2x10240x64xbf16, #tpu.memory_space<hbm>> -> memref<1x10240x64xbf16, #tpu.memory_space<hbm>>
    %dma_wait3A_184 = tpu.memref_squeeze %dma_wait3A_183 : memref<1x10240x64xbf16, #tpu.memory_space<hbm>> -> memref<10240x64xbf16, #tpu.memory_space<hbm>>
    %dma_wait3A_185 = arith.constant 0 : i32
    %dma_wait3A_186 = arith.constant 0 : i32
    %dma_wait3A_187 = tpu.memref_slice %dma_wait3A_184[%dma_wait3A_185, %dma_wait3A_186] : memref<10240x64xbf16, #tpu.memory_space<hbm>> -> memref<10240x64xbf16, #tpu.memory_space<hbm>>
    tpu.wait_indirect_dma semaphore(%arg24 : memref<!tpu.dma_semaphore, #tpu.memory_space<semaphore_mem>>) src(%dma_wait3A_187 : memref<10240x64xbf16, #tpu.memory_space<hbm>>) dst(%arg15 : memref<128x64xbf16, #tpu.memory_space<vmem>>)
    %run_scoped3A_188 = arith.constant 159 : i32
    "tpu.region"() ({
      %run_scoped3A_196 = tpu.sem_alloc : memref<!tpu.dma_semaphore, #tpu.memory_space<semaphore_mem>>
      %dma_start3A_197 = arith.constant 0 : i32
      %dma_start3A_198 = tpu.memref_slice %arg7[%run_scoped3A_188, %dma_start3A_197] : memref<160x128xi32, #tpu.memory_space<vmem>> -> memref<1x128xi32, #tpu.memory_space<vmem>>
      %dma_start3A_199 = tpu.memref_squeeze %dma_start3A_198 : memref<1x128xi32, #tpu.memory_space<vmem>> -> memref<128xi32, #tpu.memory_space<vmem>>
      %dma_start3A_200 = arith.constant 0 : i32
      %dma_start3A_201 = arith.constant 0 : i32
      %dma_start3A_202 = tpu.memref_slice %arg16[%dma_start3A_200, %dma_start3A_201] : memref<10240x64xbf16, #tpu.memory_space<vmem_shared>> -> memref<10240x64xbf16, #tpu.memory_space<vmem_shared>>
      tpu.enqueue_indirect_dma source(%arg15 : memref<128x64xbf16, #tpu.memory_space<vmem>>) target(%dma_start3A_202 : memref<10240x64xbf16, #tpu.memory_space<vmem_shared>>) offsets(%dma_start3A_199 : memref<128xi32, #tpu.memory_space<vmem>>) semaphore(%run_scoped3A_196 : memref<!tpu.dma_semaphore, #tpu.memory_space<semaphore_mem>>) {add = true}
      %dma_wait3A_203 = arith.constant 0 : i32
      %dma_wait3A_204 = tpu.memref_slice %arg7[%run_scoped3A_188, %dma_wait3A_203] : memref<160x128xi32, #tpu.memory_space<vmem>> -> memref<1x128xi32, #tpu.memory_space<vmem>>
      %dma_wait3A_205 = tpu.memref_squeeze %dma_wait3A_204 : memref<1x128xi32, #tpu.memory_space<vmem>> -> memref<128xi32, #tpu.memory_space<vmem>>
      %dma_wait3A_206 = arith.constant 0 : i32
      %dma_wait3A_207 = arith.constant 0 : i32
      %dma_wait3A_208 = tpu.memref_slice %arg16[%dma_wait3A_206, %dma_wait3A_207] : memref<10240x64xbf16, #tpu.memory_space<vmem_shared>> -> memref<10240x64xbf16, #tpu.memory_space<vmem_shared>>
      tpu.wait_indirect_dma semaphore(%run_scoped3A_196 : memref<!tpu.dma_semaphore, #tpu.memory_space<semaphore_mem>>) src(%arg15 : memref<128x64xbf16, #tpu.memory_space<vmem>>) dst(%dma_wait3A_208 : memref<10240x64xbf16, #tpu.memory_space<vmem_shared>>)
      tpu.yield
    }) : () -> ()
    %barrier3A_189 = arith.constant 0 : index
    tpu.barrier barrier_id(%barrier3A_189)
    %mul3A_190 = arith.constant 640 : i32
    %mul3A_191 = arith.muli %arg1, %mul3A_190 : i32
    %mul3A_192 = arith.constant 640 : i32
    %mul3A_193 = arith.muli %arg1, %mul3A_192 : i32
    %mul3A_194 = arith.constant 64 : i32
    %mul3A_195 = arith.muli %arg0, %mul3A_194 : i32
    "tpu.region"() ({
      %run_scoped3A_196 = tpu.sem_alloc : memref<!tpu.dma_semaphore, #tpu.memory_space<semaphore_mem>>
      %dma_start3A_197 = tpu.memref_slice %arg5[%mul3A_193, %mul3A_195] : memref<10240x128xbf16, #tpu.memory_space<hbm>> -> memref<640x64xbf16, #tpu.memory_space<hbm>>
      %dma_start3A_198 = arith.constant 0 : i32
      %dma_start3A_199 = tpu.memref_slice %arg16[%mul3A_191, %dma_start3A_198] : memref<10240x64xbf16, #tpu.memory_space<vmem_shared>> -> memref<640x64xbf16, #tpu.memory_space<vmem_shared>>
      tpu.enqueue_dma source(%dma_start3A_199 : memref<640x64xbf16, #tpu.memory_space<vmem_shared>>) target(%dma_start3A_197 : memref<640x64xbf16, #tpu.memory_space<hbm>>) target_semaphore(%run_scoped3A_196 : memref<!tpu.dma_semaphore, #tpu.memory_space<semaphore_mem>>)
      %dma_wait3A_200 = tpu.memref_slice %arg5[%mul3A_193, %mul3A_195] : memref<10240x128xbf16, #tpu.memory_space<hbm>> -> memref<640x64xbf16, #tpu.memory_space<hbm>>
      %dma_wait3A_201 = arith.constant 0 : i32
      %dma_wait3A_202 = tpu.memref_slice %arg16[%mul3A_191, %dma_wait3A_201] : memref<10240x64xbf16, #tpu.memory_space<vmem_shared>> -> memref<640x64xbf16, #tpu.memory_space<vmem_shared>>
      tpu.wait_dma2 semaphore(%run_scoped3A_196 : memref<!tpu.dma_semaphore, #tpu.memory_space<semaphore_mem>>) src(%dma_wait3A_202 : memref<640x64xbf16, #tpu.memory_space<vmem_shared>>) dst(%dma_wait3A_200 : memref<640x64xbf16, #tpu.memory_space<hbm>>)
      tpu.yield
    }) : () -> ()
    return
  }
}

module attributes {stable_mosaic.version = 14 : i64} {
  func.func @_g_body(%arg0: i32, %arg1: memref<1x1x1280xf32, #tpu.memory_space<vmem>>, %arg2: memref<1x1x1280xf32, #tpu.memory_space<vmem>>, %arg3: memref<1280x128xf32, #tpu.memory_space<vmem>>, %arg4: memref<128x128xf32, #tpu.memory_space<vmem>>, %arg5: memref<1x128xf32, #tpu.memory_space<vmem>>, %arg6: memref<2x1280x64xbf16, #tpu.memory_space<vmem>>, %arg7: memref<1280x1xf32, #tpu.memory_space<vmem>>) attributes {dimension_semantics = [#tpu.dimension_semantics<arbitrary>], iteration_bounds = array<i64: 8>, scalar_prefetch = 0 : i64, scratch_operands = 0 : i64, tpu.core_type = #tpu.core_type<tc>, window_params = [{transform_indices = @transform_0, window_bounds = array<i64: 1, 1, 1280>}, {transform_indices = @transform_1, window_bounds = array<i64: 1, 1, 1280>}, {transform_indices = @transform_2, window_bounds = array<i64: 1280, 128>}, {pipeline_mode = #tpu.pipeline_mode<synchronous>, transform_indices = @transform_3, window_bounds = array<i64: 128, 128>}, {pipeline_mode = #tpu.pipeline_mode<synchronous>, transform_indices = @transform_4, window_bounds = array<i64: 1, 128>}, {transform_indices = @transform_5, window_bounds = array<i64: 2, 1280, 64>}, {transform_indices = @transform_6, window_bounds = array<i64: 1280, 1>}]} {
    %get3A = arith.constant 0 : index
    %get3A_0 = arith.constant 0 : index
    %get3A_1 = vector.load %arg3[%get3A, %get3A_0] : memref<1280x128xf32, #tpu.memory_space<vmem>>, vector<1280x128xf32>
    %get3A_2 = arith.constant 0 : index
    %get3A_3 = arith.constant 0 : index
    %get3A_4 = vector.load %arg4[%get3A_2, %get3A_3] : memref<128x128xf32, #tpu.memory_space<vmem>>, vector<128x128xf32>
    %dot_general3A = arith.constant dense<0.000000e+00> : vector<1280x128xf32>
    %dot_general3A_5 = tpu.matmul %get3A_1, %get3A_4, %dot_general3A {dimension_numbers = #tpu.dot_dimension_numbers<[1], [0], [0], [1], [0, 0, 1, 1], [], []>, transpose_lhs_hint = false} : vector<1280x128xf32>, vector<128x128xf32>, vector<1280x128xf32> -> vector<1280x128xf32>
    %get3A_6 = arith.constant 0 : index
    %get3A_7 = arith.constant 0 : index
    %get3A_8 = vector.load %arg5[%get3A_6, %get3A_7] : memref<1x128xf32, #tpu.memory_space<vmem>>, vector<1x128xf32>
    %add3A = vector.broadcast %get3A_8 : vector<1x128xf32> to vector<1280x128xf32>
    %add3A_9 = arith.addf %dot_general3A_5, %add3A : vector<1280x128xf32>
    %get3A_10 = arith.constant 0 : index
    %get3A_11 = arith.constant 0 : index
    %get3A_12 = arith.constant 0 : index
    %get3A_13 = vector.load %arg1[%get3A_10, %get3A_11, %get3A_12] : memref<1x1x1280xf32, #tpu.memory_space<vmem>>, vector<1x1x1280xf32>
    %get3A_14 = vector.shape_cast %get3A_13 : vector<1x1x1280xf32> to vector<1280xf32>
    %get3A_15 = arith.constant 0 : index
    %get3A_16 = arith.constant 0 : index
    %get3A_17 = arith.constant 0 : index
    %get3A_18 = vector.load %arg2[%get3A_15, %get3A_16, %get3A_17] : memref<1x1x1280xf32, #tpu.memory_space<vmem>>, vector<1x1x1280xf32>
    %get3A_19 = vector.shape_cast %get3A_18 : vector<1x1x1280xf32> to vector<1280xf32>
    %add3A_20 = arith.addf %get3A_14, %get3A_19 : vector<1280xf32>
    %add3A_21 = arith.constant 1.000000e+00 : f32
    %add3A_22 = vector.broadcast %add3A_21 : f32 to vector<1280xf32>
    %add3A_23 = arith.addf %add3A_20, %add3A_22 : vector<1280xf32>
    %rsqrt3A = math.rsqrt %add3A_23 : vector<1280xf32>
    %broadcast_in_dim3A = vector.shape_cast %rsqrt3A : vector<1280xf32> to vector<1280x1xf32>
    %mul3A = vector.broadcast %broadcast_in_dim3A : vector<1280x1xf32> to vector<1280x128xf32>
    %mul3A_24 = arith.mulf %mul3A, %add3A_9 : vector<1280x128xf32>
    %convert_element_type3A = arith.truncf %mul3A_24 : vector<1280x128xf32> to vector<1280x128xbf16>
    %slice3A = vector.extract_strided_slice %convert_element_type3A {offsets = [0, 0], sizes = [1280, 64], strides = [1, 1]} : vector<1280x128xbf16> to vector<1280x64xbf16>
    %swap3A = arith.constant 0 : index
    %swap3A_25 = arith.constant 0 : index
    %swap3A_26 = arith.constant 0 : index
    %swap3A_27 = vector.load %arg6[%swap3A, %swap3A_25, %swap3A_26] : memref<2x1280x64xbf16, #tpu.memory_space<vmem>>, vector<1x1280x64xbf16>
    %swap3A_28 = vector.shape_cast %swap3A_27 : vector<1x1280x64xbf16> to vector<1280x64xbf16>
    %swap3A_29 = vector.shape_cast %slice3A : vector<1280x64xbf16> to vector<1x1280x64xbf16>
    tpu.vector_store %arg6[%swap3A, %swap3A_25, %swap3A_26], %swap3A_29 {strides = array<i32>} : memref<2x1280x64xbf16, #tpu.memory_space<vmem>>, vector<1x1280x64xbf16>,
    %slice3A_30 = vector.extract_strided_slice %convert_element_type3A {offsets = [0, 64], sizes = [1280, 64], strides = [1, 1]} : vector<1280x128xbf16> to vector<1280x64xbf16>
    %swap3A_31 = arith.constant 1 : index
    %swap3A_32 = arith.constant 0 : index
    %swap3A_33 = arith.constant 0 : index
    %swap3A_34 = vector.load %arg6[%swap3A_31, %swap3A_32, %swap3A_33] : memref<2x1280x64xbf16, #tpu.memory_space<vmem>>, vector<1x1280x64xbf16>
    %swap3A_35 = vector.shape_cast %swap3A_34 : vector<1x1280x64xbf16> to vector<1280x64xbf16>
    %swap3A_36 = vector.shape_cast %slice3A_30 : vector<1280x64xbf16> to vector<1x1280x64xbf16>
    tpu.vector_store %arg6[%swap3A_31, %swap3A_32, %swap3A_33], %swap3A_36 {strides = array<i32>} : memref<2x1280x64xbf16, #tpu.memory_space<vmem>>, vector<1x1280x64xbf16>,
    %broadcast_in_dim3A_37 = vector.shape_cast %rsqrt3A : vector<1280xf32> to vector<1280x1xf32>
    %swap3A_38 = arith.constant 0 : index
    %swap3A_39 = arith.constant 0 : index
    %swap3A_40 = vector.load %arg7[%swap3A_38, %swap3A_39] : memref<1280x1xf32, #tpu.memory_space<vmem>>, vector<1280x1xf32>
    tpu.vector_store %arg7[%swap3A_38, %swap3A_39], %broadcast_in_dim3A_37 {strides = array<i32>} : memref<1280x1xf32, #tpu.memory_space<vmem>>, vector<1280x1xf32>,
    return
  }
  func.func @transform_0(%arg0: i32) -> (i32, i32, i32) {
    %c0_i32 = arith.constant 0 : i32
    %c0_i32_0 = arith.constant 0 : i32
    %c0_i32_1 = arith.constant 0 : i32
    return %arg0, %c0_i32, %c0_i32_0 : i32, i32, i32
  }
  func.func @transform_1(%arg0: i32) -> (i32, i32, i32) {
    %add3A = arith.constant 8 : i32
    %add3A_0 = arith.addi %arg0, %add3A : i32
    %c0_i32 = arith.constant 0 : i32
    %c0_i32_1 = arith.constant 0 : i32
    %c0_i32_2 = arith.constant 0 : i32
    return %add3A_0, %c0_i32, %c0_i32_1 : i32, i32, i32
  }
  func.func @transform_2(%arg0: i32) -> (i32, i32) {
    %c0_i32 = arith.constant 0 : i32
    %c0_i32_0 = arith.constant 0 : i32
    return %arg0, %c0_i32 : i32, i32
  }
  func.func @transform_3(%arg0: i32) -> (i32, i32) {
    %c0_i32 = arith.constant 0 : i32
    %c0_i32_0 = arith.constant 0 : i32
    %c0_i32_1 = arith.constant 0 : i32
    return %c0_i32, %c0_i32_0 : i32, i32
  }
  func.func @transform_4(%arg0: i32) -> (i32, i32) {
    %c0_i32 = arith.constant 0 : i32
    %c0_i32_0 = arith.constant 0 : i32
    %c0_i32_1 = arith.constant 0 : i32
    return %c0_i32, %c0_i32_0 : i32, i32
  }
  func.func @transform_5(%arg0: i32) -> (i32, i32, i32) {
    %c0_i32 = arith.constant 0 : i32
    %c0_i32_0 = arith.constant 0 : i32
    %c0_i32_1 = arith.constant 0 : i32
    return %c0_i32, %arg0, %c0_i32_0 : i32, i32, i32
  }
  func.func @transform_6(%arg0: i32) -> (i32, i32) {
    %c0_i32 = arith.constant 0 : i32
    %c0_i32_0 = arith.constant 0 : i32
    return %arg0, %c0_i32 : i32, i32
  }
}

module attributes {stable_mosaic.version = 14 : i64} {
  func.func @_fin_body(%arg0: i32, %arg1: memref<2000x1xf32, #tpu.memory_space<vmem>>, %arg2: memref<2000x128xbf16, #tpu.memory_space<vmem>>, %arg3: memref<2000x128xf32, #tpu.memory_space<vmem>>) attributes {dimension_semantics = [#tpu.dimension_semantics<arbitrary>], iteration_bounds = array<i64: 5>, scalar_prefetch = 0 : i64, scratch_operands = 0 : i64, tpu.core_type = #tpu.core_type<tc>, window_params = [{transform_indices = @transform_0, window_bounds = array<i64: 2000, 1>}, {transform_indices = @transform_1, window_bounds = array<i64: 2000, 128>}, {transform_indices = @transform_2, window_bounds = array<i64: 2000, 128>}]} {
    %get3A = arith.constant 0 : index
    %get3A_0 = arith.constant 0 : index
    %get3A_1 = vector.load %arg1[%get3A, %get3A_0] : memref<2000x1xf32, #tpu.memory_space<vmem>>, vector<2000x1xf32>
    %get3A_2 = arith.constant 0 : index
    %get3A_3 = arith.constant 0 : index
    %get3A_4 = vector.load %arg2[%get3A_2, %get3A_3] : memref<2000x128xbf16, #tpu.memory_space<vmem>>, vector<2000x128xbf16>
    %convert_element_type3A = arith.extf %get3A_4 : vector<2000x128xbf16> to vector<2000x128xf32>
    %mul3A = vector.broadcast %get3A_1 : vector<2000x1xf32> to vector<2000x128xf32>
    %mul3A_5 = arith.mulf %mul3A, %convert_element_type3A : vector<2000x128xf32>
    %swap3A = arith.constant 0 : index
    %swap3A_6 = arith.constant 0 : index
    %swap3A_7 = vector.load %arg3[%swap3A, %swap3A_6] : memref<2000x128xf32, #tpu.memory_space<vmem>>, vector<2000x128xf32>
    tpu.vector_store %arg3[%swap3A, %swap3A_6], %mul3A_5 {strides = array<i32>} : memref<2000x128xf32, #tpu.memory_space<vmem>>, vector<2000x128xf32>,
    return
  }
  func.func @transform_0(%arg0: i32) -> (i32, i32) {
    %c0_i32 = arith.constant 0 : i32
    %c0_i32_0 = arith.constant 0 : i32
    return %arg0, %c0_i32 : i32, i32
  }
  func.func @transform_1(%arg0: i32) -> (i32, i32) {
    %c0_i32 = arith.constant 0 : i32
    %c0_i32_0 = arith.constant 0 : i32
    return %arg0, %c0_i32 : i32, i32
  }
  func.func @transform_2(%arg0: i32) -> (i32, i32) {
    %c0_i32 = arith.constant 0 : i32
    %c0_i32_0 = arith.constant 0 : i32
    return %arg0, %c0_i32 : i32, i32
  }
}

</mosaic_0001>

<sc_bundles>
// kernel: kernel.6.cloned.1.call-start
scs
__scs_entry_jumppad:
0x0: {  	(pc) =	sbr.rel $0x88, $3  }
0x1: {  	(tag) =	ssettag $0x0;
	lr =	simm.s32 $0x1  }
0x2: {  	[smem:$0x3F9D] =	sst lr;
	_ =	strace $0xD0000000  }
0x3: {  	_ = 	snop  }
0x4: {  	_ = 	snop  }
0x5: {  	_ = 	snop  }
0x6: {  	_ = 	snop  }
0x7: {  	_ = 	snop  }
__scs_overlays_trampoline_lowered:
0x8: {  	[smem:$0x3FAC] =	sst s0  }
0x9: {  	[smem:$0x3FAD] =	sst s1  }
0xa: {  	[smem:$0x3FAE] =	sst s2  }
0xb: {  	[smem:$0x3FAF] =	sst s3  }
0xc: {  	[smem:$0x3FB0] =	sst s4  }
0xd: {  	[smem:$0x3FB1] =	sst s5  }
0xe: {  	[smem:$0x3FB2] =	sst s6  }
0xf: {  	[smem:$0x3FB3] =	sst s7  }
0x10: {  	[smem:$0x3FB4] =	sst s8  }
0x11: {  	[smem:$0x3FB5] =	sst s9;
	s0 =	simm.s32 @!p0 $0x0  }
0x12: {  	s1 =	sld [smem:$0x3F9B];
	s0 =	simm.s32 @p0 $0x1  }
0x13: {  	[smem:$0x3FB6] =	sst s0;
	s0 =	simm.s32 @!p1 $0x0  }
0x14: {  	s2 =	sld [smem:$0x3F9A];
	s0 =	simm.s32 @p1 $0x1  }
0x15: {  	[smem:$0x3FB7] =	sst s0;
	s0 =	simm.s32 @!p2 $0x0  }
0x16: {  	s3 =	sld [smem:$0x3FDB];
	s0 =	simm.s32 @p2 $0x1  }
0x17: {  	s4 =	simm.s32 $0x1BF5;
	[smem:$0x3FB9] =	sst s0  }
0x18: {  	s0 =	sld [smem:$0x3F9C];
	_ =	swait.ge [sflag:s4], $0x0  }
0x19: {  	s7 =	sld [smem:$0x3F9D]  }
0x1a: {  	s8 =	sadd.s32 $0xFFFFE003, lr  }
0x1b: {  	s9 =	sadd.s32 $0xFFFFFEF7, lr;
	s5 =	simm.s32 $0xFFFFFFFF;
	p2 =	slt.u32 s8, $0xFFFFF086  }
0x1c: {  	p1 =	slt.u32 s9, $0xF7A;
	s5 =	simm.s32 @!p2 $0x0  }
0x1d: {  	s5 =	simm.s32 @p1 $0x1;
	p0 =	seq.s32 s7, s2  }
0x1e: {  	s7 =	smul.u32 @!p0 $0xF7A, s2;
	p2 =	seq.s32 @!p0 s5, $0x0  }
0x1f: {  	s9 =	smul.u32 $0xF7A, s1;
	s8 =	simm.s32 @!p0 $0x1BF5;
	p2 =	por !p2, p0  }
0x20: {  	[sflag:s8] =	ssyncset.s32 @!p0 $0xFFFFF086;
	s6 =	sadd.s32 @!p0 s3, s7;
	s7 =	simm.s32 @!p0 $0x108  }
0x21: {  	s3 =	sadd.s32 s3, s9;
	s6 =	sadd.s32 @!p0 $0x88, s6;
	s7 =	simm.s32 @p2 $0x1082  }
0x22: {  	[simem:s7], [sflag:s8] =	dma.local @!p0 [hbm:s6], $0xF7A  }
0x23: {  	s9 =	sor.u32 $0xD0000000, s2;
	s6 =	simm.s32 $0x108;
	_ =	swait.ge @!p0 [sflag:s8], $0x0  }
0x24: {  	s3 =	sadd.s32 $0x88, s3;
	s6 =	simm.s32 @!p1 $0x1082;
	[sflag:s4] =	ssyncset.s32 $0xFFFFF086  }
0x25: {  	[simem:s6], [sflag:s4] =	dma.local [hbm:s3], $0xF7A  }
0x26: {  	[smem:$0x3F9D] =	sst s1;
	(tag) =	ssettag s2;
	_ =	strace s9  }
0x27: {  	s1 =	sld [smem:$0x3FAD]  }
0x28: {  	s2 =	sld [smem:$0x3FAE]  }
0x29: {  	s4 =	sld [smem:$0x3FB0]  }
0x2a: {  	p0 =	seq.s32 s5, $0x0;
	s5 =	sld [smem:$0x3FB1]  }
0x2b: {  	s6 =	sld [smem:$0x3FB2]  }
0x2c: {  	s7 =	sld [smem:$0x3FB3]  }
0x2d: {  	s3 =	simm.s32 $0x108;
	s8 =	sld [smem:$0x3FB4]  }
0x2e: {  	s3 =	simm.s32 @!p0 $0x1082;
	s9 =	sld [smem:$0x3FB5]  }
0x2f: {  	lr =	sadd.s32 s0, s3;
	s0 =	sld [smem:$0x3FAC]  }
0x30: {  	s3 =	sld [smem:$0x3FAF]  }
0x31: {  	[smem:$0x3FB8] =	sst s10  }
0x32: {  	s10 =	sld [smem:$0x3FB6];
	_ =	sdelay $0x3  }
0x33: {  	p0 =	seq.s32 s10, $0x1;
	s10 =	sld [smem:$0x3FB8];
	_ =	sdelay $0x3  }
0x34: {  	[smem:$0x3FB8] =	sst s10  }
0x35: {  	s10 =	sld [smem:$0x3FB7];
	_ =	sdelay $0x3  }
0x36: {  	p1 =	seq.s32 s10, $0x1;
	s10 =	sld [smem:$0x3FB8];
	_ =	sdelay $0x3  }
0x37: {  	[smem:$0x3FB8] =	sst s10  }
0x38: {  	s10 =	sld [smem:$0x3FB9]  }
0x39: {  	_ = 	snop;
	(pc) =	sbr.ind lr, $3  }
0x3a: {  	_ = 	snop  }
0x3b: {  	_ = 	snop  }
0x3c: {  	p2 =	seq.s32 s10, $0x1;
	s10 =	sld [smem:$0x3FB8]  }
0x3d: {  	_ =	shalt  }
0x3e: {  	_ =	shalt  }
0x3f: {  	_ =	shalt  }
0x40: {  	_ =	shalt  }
0x41: {  	_ =	shalt  }
0x42: {  	_ =	shalt  }
0x43: {  	_ =	shalt  }
0x44: {  	_ =	shalt  }
0x45: {  	_ =	shalt  }
0x46: {  	_ =	shalt  }
0x47: {  	_ =	shalt  }
0x48: {  	_ =	shalt  }
0x49: {  	_ =	shalt  }
0x4a: {  	_ =	shalt  }
0x4b: {  	_ =	shalt  }
0x4c: {  	_ =	shalt  }
0x4d: {  	_ =	shalt  }
0x4e: {  	_ =	shalt  }
0x4f: {  	_ =	shalt  }
0x50: {  	_ =	shalt  }
0x51: {  	_ =	shalt  }
0x52: {  	_ =	shalt  }
0x53: {  	_ =	shalt  }
0x54: {  	_ =	shalt  }
0x55: {  	_ =	shalt  }
0x56: {  	_ =	shalt  }
0x57: {  	_ =	shalt  }
0x58: {  	_ =	shalt  }
0x59: {  	_ =	shalt  }
0x5a: {  	_ =	shalt  }
0x5b: {  	_ =	shalt  }
0x5c: {  	_ =	shalt  }
0x5d: {  	_ =	shalt  }
0x5e: {  	_ =	shalt  }
0x5f: {  	_ =	shalt  }
0x60: {  	_ =	shalt  }
0x61: {  	_ =	shalt  }
0x62: {  	_ =	shalt  }
0x63: {  	_ =	shalt  }
0x64: {  	_ =	shalt  }
0x65: {  	_ =	shalt  }
0x66: {  	_ =	shalt  }
0x67: {  	_ =	shalt  }
0x68: {  	_ =	shalt  }
0x69: {  	_ =	shalt  }
0x6a: {  	_ =	shalt  }
0x6b: {  	_ =	shalt  }
0x6c: {  	_ =	shalt  }
0x6d: {  	_ =	shalt  }
0x6e: {  	_ =	shalt  }
0x6f: {  	_ =	shalt  }
0x70: {  	_ =	shalt  }
0x71: {  	_ =	shalt  }
0x72: {  	_ =	shalt  }
0x73: {  	_ =	shalt  }
0x74: {  	_ =	shalt  }
0x75: {  	_ =	shalt  }
0x76: {  	_ =	shalt  }
0x77: {  	_ =	shalt  }
0x78: {  	_ =	shalt  }
0x79: {  	_ =	shalt  }
0x7a: {  	_ =	shalt  }
0x7b: {  	_ =	shalt  }
0x7c: {  	_ =	shalt  }
0x7d: {  	_ =	shalt  }
0x7e: {  	_ =	shalt  }
0x7f: {  	_ =	shalt  }
0x80: {  	_ =	shalt  }
0x81: {  	_ =	shalt  }
0x82: {  	_ =	shalt  }
0x83: {  	_ =	shalt  }
0x84: {  	_ =	shalt  }
0x85: {  	_ =	shalt  }
0x86: {  	_ =	shalt  }
0x87: {  	_ =	shalt  }
.Lfunc_end0:
.L_simem_size_0:
called_computation_lowered:
.L_overlay_start_0:
0x88: {  	s2 =	sld [smem:$0x3FD9]  }
0x89: {  	s3 =	sld [smem:$0x3FFE];
	_ =	sdelay $0x1  }
0x8a: {  	s1 =	srdreg.scid  }
0x8b: {  	s0 =	sand.u32 $0x1, s1  }
0x8c: {  	s17 =	sshll.u32 s0, $0xA;
	s2 =	sadd.s32 s3, s2  }
0x8d: {  	s2 =	sadd.s32 s2, s17  }
0x8e: {  	[smem:$0x3FC4] =	sst s2  }
0x8f: {  	_ = 	snop  }
0x90: {  	s2 =	sld [smem:$0x3FD0];
	(tm) =	ssettm $0x1  }
0x91: {  	s18 =	sld [smem:$0x3FFB];
	_ =	sdelay $0x3  }
0x92: {  	_ =	strace s18  }
0x93: {  	s3 =	sld [smem:$0x3FFC];
	_ =	sdelay $0x3  }
0x94: {  	_ =	strace s3  }
0x95: {  	s3 =	sld [smem:$0x3FFD];
	_ =	sdelay $0x3  }
0x96: {  	_ =	strace s3  }
0x97: {  	_ =	strace $0x8FFFFFFF  }
0x98: {  	s19 =	sld [smem:$0x3FDB];
	_ =	sdelay $0x1  }
0x99: {  	s4 =	simm.s32 $_scs_section_size  }
0x9a: {  	s5 =	simm.s32 $_size__tile_overlayer_lowered;
	s6 =	simm.s32 $_tile_overlayer_lowered  }
0x9b: {  	s22 =	simm.s32 $0x1BFF;
	s21 =	sshll.u32 s6, $0x1;
	s3 =	sadd.s32 s4, s19  }
0x9c: {  	s7 =	simm.s32 $0x0;
	s20 =	sshll.u32 s5, $0x1;
	s5 =	sadd.s32 s21, s3  }
0x9d: {  	[timem:s7], [sflag:s22] =	dma.local [hbm:s5], s20  }
0x9e: {  	_ =	swait.ge [sflag:s22], s20  }
0x9f: {  	s4 =	ssub.s32 $0x0, s20;
	[sflag:s22] =	ssyncset.done $0x0  }
0xa0: {  	[sflag:s22] =	ssyncadd.s32 s4;
	_ =	sdelay $0x1  }
0xa1: {  	s23 =	simm.s32 $0x1B8B  }
0xa2: {  	_ =	swait.ge [sflag:s23], $0x1  }
0xa3: {  	[sflag:s23] =	ssyncset.done $0x0  }
0xa4: {  	s25 =	simm.s32 $0x1B8E;
	s24 =	sld [smem:$0x3FFE];
	[sflag:s23] =	ssyncadd.s32 $0xFFFFFFFF  }
0xa5: {  	s26 =	simm.s32 $execute0_lowered;
	[smem:$0x3FD2] =	sst s25  }
0xa6: {  	s5 =	sshll.u32 s26, $0x1;
	_ =	strace $0x80000046;
	[dreg:$0x1] =	wrdreg $0xFFFFFFFF  }
0xa7: {  	s28 =	simm.s32 $_size_execute0_lowered;
	s3 =	sadd.s32 s3, s5;
	[dreg:$0x0] =	wrdreg $0x0  }
0xa8: {  	s5 =	sshll.u32 s28, $0x1;
	[dreg:$0x2] =	wrdreg s3  }
0xa9: {  	[dreg:$0x3] =	wrdreg s5  }
0xaa: {  	[dreg:$0x4] =	wrdreg $0xC0  }
0xab: {  	_ =	task [dreg:s7], $0x5FFFF  }
0xac: {  	[dreg:$0x1] =	wrdreg $0xFFFFFFFF  }
0xad: {  	[dreg:$0x0] =	wrdreg $0x60  }
0xae: {  	[dreg:$0x2] =	wrdreg s24  }
0xaf: {  	[dreg:$0x3] =	wrdreg s2  }
0xb0: {  	[dreg:$0x4] =	wrdreg $0x2B000  }
0xb1: {  	[dreg:$0x5] =	wrdreg $0x9  }
0xb2: {  	_ =	task.clear_ibuf [dreg:s7], $0x6FFFF;
	_ =	strace $0x90000046  }
0xb3: {  	s29 =	simm.s32 $0x9;
	_ =	strace $0x80000048  }
0xb4: {  	_ =	swait.ge [sflag:s29], $0x1  }
0xb5: {  	[sflag:s29] =	ssyncadd.s32 $0xFFFFFFFF  }
0xb6: {  	_ =	strace $0x90000048  }
0xb7: {  	_ =	sfence  }
0xb8: {  	s30 =	sld [smem:$0x0];
	_ =	sdelay $0x2  }
0xb9: {  	s31 =	sshll.u32 s1, $0xD;
	s1 =	sshrl.u32 s1, $0x2  }
0xba: {  	s3 =	sand.u32 $0x4000, s31;
	s1 =	sadd.s32 s1, s30  }
0xbb: {  	s0 =	sor.u32 s3, s0;
	s1 =	sshll.u32 s1, $0x11  }
0xbc: {  	s0 =	sor.u32 s1, s0  }
0xbd: {  	s0 =	sadd.s32 $0x8F2B, s0  }
0xbe: {  	[sflag:s0] =	ssyncadd.remote.s32 $0x1  }
0xbf: {  	_ =	sfence.sel $0xFFFF  }
0xc0: {  	[dreg:$0x0] =	wrdreg $0xFFFFFFFF;
	(pc) =	sbr.abs _section_cstart, $3  }
0xc1: {  	[dreg:$0x1] =	wrdreg $0xFFFFFFFF  }
0xc2: {  	_ =	task.clear_ibuf [dreg:s7], $0x2FFFF;
	_ =	strace $0x9FFFFFFF  }
0xc3: {  	(tm) =	ssettm $0x7FFFFFFF  }
tec
execute0_lowered:
.L_overlay_start_1:
0x0: {  	(tag) =	ssettag $0x1  }
0x1: {  	s4 =	rddreg [dreg:$0x0]  }
0x2: {  	s6 =	rddreg [dreg:$0x1]  }
0x3: {  	s2 =	rddreg [dreg:$0x2]  }
0x4: {  	s0 =	rddreg [dreg:$0x3]  }
0x5: {  	s5 =	srdreg.scid;
	s1 =	stileid.u32  }
0x6: {  	s3 =	simm.s32 $0x0;
	s11 =	simm.s32 $0x2800;
	s14 =	simm.s32 $0x0  }
0x7: {  	s5 =	sand.u32 $0x1, s5;
	s7 =	smul.u32 $0x5000, s1;
	[smem:$0x7FF] =	sst s3  }
0x8: {  	s9 =	sshrl.u32 s1, $0x1;
	s28 =	sand.u32 $0x1, s1;
	s10 =	smul.u32 $0xA00, s1  }
0x9: {  	s12 =	sshll.u32 s1, $0x6;
	s8 =	smul.u32 $0x2800, s5;
	_ =	strace $0x80000047  }
0xa: {  	s26 =	sshll.u32 s5, $0x3;
	p0 =	seq.s32 s28, $0x1;
	s5 =	ssub.s32 $0x2, s5  }
0xb: {  	s12 =	sor.u32 $0x1C01, s12;
	s29 =	sshrl.u32 s5, $0x1;
	s31 =	sshrl.u32 s10, $0x2  }
0xc: {  	s10 =	simm.s32 $0x80;
	s7 =	sadd.s32 s8, s7;
	s8 =	sor.u32 s9, s26  }
0xd: {  	s9 =	simm.s32 $0x280;
	s7 =	sshrl.u32 s7, $0x3;
	s8 =	smul.u32 $0x500, s8  }
0xe: {  	s30 =	ssub.s32 s5, s29;
	s9 =	simm.s32 @!p0 $0x0;
	s7 =	sadd.s32 s7, s4  }
0xf: {  	s4 =	sadd.s32 s31, s2;
	s8 =	sadd.s32 s9, s8;
	s5 =	sadd.s32 $0xBA00, s7  }
0x10: {  	s7 =	smax.u32 s30, $0x1;
	s9 =	simm.s32 $0x1;
	s8 =	sshrl.u32 s8, $0x3  }
0x11: {  	v0 =	vimm.f32 $0.0e+00;
	v1 =	vimm.f32 $1.000000000e+00;
	s13 =	sshrl.u32 s4, $0x3;
	s6 =	sadd.s32 s6, s8;
	s8 =	simm.s32 $0x2880  }
.LBB2_1:
0x12: {  	[tilespmem:$0x2880] =	vst v0  }
0x13: {  	[tilespmem:$0x2890] =	vst v0  }
0x14: {  	[tilespmem:$0x28A0] =	vst v0  }
0x15: {  	[tilespmem:$0x28B0] =	vst v0  }
0x16: {  	[tilespmem:$0x28C0] =	vst v0  }
0x17: {  	[tilespmem:$0x28D0] =	vst v0  }
0x18: {  	[tilespmem:$0x28E0] =	vst v0  }
0x19: {  	[tilespmem:$0x28F0] =	vst v0  }
0x1a: {  	[tilespmem:$0x2900] =	vst v0  }
0x1b: {  	[tilespmem:$0x2910] =	vst v0  }
0x1c: {  	[tilespmem:$0x2920] =	vst v0  }
0x1d: {  	[tilespmem:$0x2930] =	vst v0  }
0x1e: {  	[tilespmem:$0x2940] =	vst v0  }
0x1f: {  	[tilespmem:$0x2950] =	vst v0  }
0x20: {  	[tilespmem:$0x2960] =	vst v0  }
0x21: {  	[tilespmem:$0x2970] =	vst v0  }
0x22: {  	[tilespmem:$0x2980] =	vst v0  }
0x23: {  	[tilespmem:$0x2990] =	vst v0  }
0x24: {  	[tilespmem:$0x29A0] =	vst v0  }
0x25: {  	[tilespmem:$0x29B0] =	vst v0  }
0x26: {  	[tilespmem:$0x29C0] =	vst v0  }
0x27: {  	[tilespmem:$0x29D0] =	vst v0  }
0x28: {  	[tilespmem:$0x29E0] =	vst v0  }
0x29: {  	[tilespmem:$0x29F0] =	vst v0  }
0x2a: {  	[tilespmem:$0x2A00] =	vst v0  }
0x2b: {  	[tilespmem:$0x2A10] =	vst v0  }
0x2c: {  	[tilespmem:$0x2A20] =	vst v0  }
0x2d: {  	[tilespmem:$0x2A30] =	vst v0  }
0x2e: {  	[tilespmem:$0x2A40] =	vst v0  }
0x2f: {  	[tilespmem:$0x2A50] =	vst v0  }
0x30: {  	[tilespmem:$0x2A60] =	vst v0  }
0x31: {  	[tilespmem:$0x2A70] =	vst v0  }
0x32: {  	[tilespmem:$0x2A80] =	vst v0  }
0x33: {  	[tilespmem:$0x2A90] =	vst v0  }
0x34: {  	[tilespmem:$0x2AA0] =	vst v0  }
0x35: {  	[tilespmem:$0x2AB0] =	vst v0  }
0x36: {  	[tilespmem:$0x2AC0] =	vst v0  }
0x37: {  	[tilespmem:$0x2AD0] =	vst v0  }
0x38: {  	[tilespmem:$0x2AE0] =	vst v0  }
0x39: {  	[tilespmem:$0x2AF0] =	vst v0  }
0x3a: {  	[tilespmem:$0x2800] =	vst v1  }
0x3b: {  	[tilespmem:$0x2810] =	vst v1  }
0x3c: {  	[tilespmem:$0x2820] =	vst v1  }
0x3d: {  	[tilespmem:$0x2830] =	vst v1  }
0x3e: {  	[tilespmem:$0x2840] =	vst v1  }
0x3f: {  	[tilespmem:$0x2850] =	vst v1  }
0x40: {  	[tilespmem:$0x2860] =	vst v1  }
0x41: {  	[tilespmem:$0x2870] =	vst v1  }
0x42: {  	[spmem:s4] =	stream.linear.scatter [tilespmem:s8], [sflag:$0x1], $0x280, $0x38;
	[tilespmem:$0x2D80] =	vst v63  }
0x43: {  	_ =	swait.ge [sflag:s9], $0x280  }
0x44: {  	[sflag:s9] =	ssyncset.done $0x0  }
0x45: {  	[sflag:s9] =	ssyncadd.s32 $0xFFFFFD80  }
0x46: {  	[tilespmem:s3], [sflag:$0x1] =	stream.linear.gather [hbm4b:s5+s3], $0x2800, $0x38;
	[tilespmem:$0x2D80] =	vst v63  }
0x47: {  	_ =	swait.ge [sflag:s9], $0x2800  }
0x48: {  	[sflag:s9] =	ssyncset.done $0x0  }
0x49: {  	[sflag:s9] =	ssyncadd.s32 $0xFFFFD800  }
0x4a: {  	s15 =	simm.s32 $0x0;
	[bflag:$0x0] =	sbarrier.arrive $0xFFFF  }
0x4b: {  	[spmem:s2] =	stream.indirect.scatter.add.f32 [tilespmem:s11], [sflag:$0x1], $0x1, s15, s10, $0xb8;
	[tilespmem:$0x2D80] =	vst v63  }
0x4c: {  	_ =	swait.ge [sflag:s9], $0x80  }
0x4d: {  	s15 =	simm.s32 $0x200;
	[sflag:s9] =	ssyncset.done $0x0  }
.LBB2_2:
0x4e: {  	s16 =	sshra.s32 s15, $0x2;
	[sflag:s9] =	ssyncadd.s32 $0xFFFFFF80;
	p0 =	sne.s32 s15, $0x9E00  }
0x4f: {  	[spmem:s2] =	stream.indirect.scatter.add.f32 [tilespmem:s11], [sflag:$0x1], $0x1, s16, s10, $0xb8;
	[tilespmem:$0x2D80] =	vst v63  }
.Ltmp0:
0x50: {  	_ = 	snop;
	(pc) =	sbr.rel @p0 .LBB2_2-.Ltmp0, $4  }
0x51: {  	_ = 	snop  }
0x52: {  	s15 =	sadd.s32 $0x200, s15  }
0x53: {  	_ =	swait.ge [sflag:s9], $0x80  }
0x54: {  	[sflag:s9] =	ssyncset.done $0x0  }
0x55: {  	s14 =	sadd.s32 $0x1, s14  }
0x56: {  	[sflag:s9] =	ssyncadd.s32 $0xFFFFFF80;
	p0 =	sne.s32 s14, s7  }
.Ltmp1:
0x57: {  	[bflag:$0x0] =	sbarrier.arrive $0xFFFF;
	(pc) =	sbr.rel @p0 .LBB2_1-.Ltmp1, $4  }
0x58: {  	[hbm:s6], [sflag:s12] =	dma.local [spmem:s13], $0x50  }
0x59: {  	_ =	swait.ge [sflag:s9], $0x50  }
0x5a: {  	[sflag:s9] =	ssyncset.done $0x0  }
0x5b: {  	[sflag:s9] =	ssyncadd.s32 $0xFFFFFFB0  }
0x5c: {  	_ =	sfence.sel $0x180000  }
0x5d: {  	[bflag:$0x0] =	sbarrier.arrive $0xFFFF  }
0x5e: {  	p0 =	sne.s32 s1, $0x0;
	_ =	strace $0x90000047  }
0x5f: {  	s0 =	sadd.s32 @!p0 $0x100000, s0;
	[bflag:$0x2] =	sbarrier.arrive $0xFFFF  }
0x60: {  	[sflag:s0] =	ssyncadd.tile.s32 @!p0 $0x1;
	_ =	shalt  }
.Lfunc_end2:
_tile_overlayer_lowered:
.L_overlay_start_2:
0x61: {  	(tag) =	ssettag $0x2  }
0x62: {  	s0 =	rddreg [dreg:$0x0];
	s2 =	stileid.u32  }
0x63: {  	s1 =	rddreg [dreg:$0x1];
	p0 =	sne.s32 s2, $0x0  }
0x64: {  	s3 =	rddreg [dreg:$0x2];
	[bflag:$0x3] =	sbarrier.arrive $0xFFFF;
	s2 =	simm.s32 @!p0 $0x1C01  }
0x65: {  	[timem:s3], [sflag:s2] =	dma.local @!p0 [hbm:s0], s1  }
0x66: {  	s0 =	simm.s32 @!p0 $0x1  }
0x67: {  	_ =	swait.ge @!p0 [sflag:s0], s1  }
0x68: {  	s1 =	ssub.s32 @!p0 $0x0, s1;
	[sflag:s0] =	ssyncset.done @!p0 $0x0  }
0x69: {  	[sflag:s0] =	ssyncadd.s32 @!p0 s1  }
0x6a: {  	[bflag:$0x3] =	sbarrier.arrive $0xFFFF  }
0x6b: {  	_ =	shalt  }

// kernel: kernel.9.cloned.1.call-start
scs
__scs_entry_jumppad:
0x0: {  	(pc) =	sbr.rel $0x88, $3  }
0x1: {  	(tag) =	ssettag $0x0;
	lr =	simm.s32 $0x1  }
0x2: {  	[smem:$0x3F9D] =	sst lr;
	_ =	strace $0xD0000000  }
0x3: {  	_ = 	snop  }
0x4: {  	_ = 	snop  }
0x5: {  	_ = 	snop  }
0x6: {  	_ = 	snop  }
0x7: {  	_ = 	snop  }
__scs_overlays_trampoline_lowered:
0x8: {  	[smem:$0x3FAC] =	sst s0  }
0x9: {  	[smem:$0x3FAD] =	sst s1  }
0xa: {  	[smem:$0x3FAE] =	sst s2  }
0xb: {  	[smem:$0x3FAF] =	sst s3  }
0xc: {  	[smem:$0x3FB0] =	sst s4  }
0xd: {  	[smem:$0x3FB1] =	sst s5  }
0xe: {  	[smem:$0x3FB2] =	sst s6  }
0xf: {  	[smem:$0x3FB3] =	sst s7  }
0x10: {  	[smem:$0x3FB4] =	sst s8  }
0x11: {  	[smem:$0x3FB5] =	sst s9;
	s0 =	simm.s32 @!p0 $0x0  }
0x12: {  	s1 =	sld [smem:$0x3F9B];
	s0 =	simm.s32 @p0 $0x1  }
0x13: {  	[smem:$0x3FB6] =	sst s0;
	s0 =	simm.s32 @!p1 $0x0  }
0x14: {  	s2 =	sld [smem:$0x3F9A];
	s0 =	simm.s32 @p1 $0x1  }
0x15: {  	[smem:$0x3FB7] =	sst s0;
	s0 =	simm.s32 @!p2 $0x0  }
0x16: {  	s3 =	sld [smem:$0x3FDB];
	s0 =	simm.s32 @p2 $0x1  }
0x17: {  	s4 =	simm.s32 $0x1BF5;
	[smem:$0x3FB9] =	sst s0  }
0x18: {  	s0 =	sld [smem:$0x3F9C];
	_ =	swait.ge [sflag:s4], $0x0  }
0x19: {  	s7 =	sld [smem:$0x3F9D]  }
0x1a: {  	s8 =	sadd.s32 $0xFFFFE003, lr  }
0x1b: {  	s9 =	sadd.s32 $0xFFFFFEF7, lr;
	s5 =	simm.s32 $0xFFFFFFFF;
	p2 =	slt.u32 s8, $0xFFFFF086  }
0x1c: {  	p1 =	slt.u32 s9, $0xF7A;
	s5 =	simm.s32 @!p2 $0x0  }
0x1d: {  	s5 =	simm.s32 @p1 $0x1;
	p0 =	seq.s32 s7, s2  }
0x1e: {  	s7 =	smul.u32 @!p0 $0xF7A, s2;
	p2 =	seq.s32 @!p0 s5, $0x0  }
0x1f: {  	s9 =	smul.u32 $0xF7A, s1;
	s8 =	simm.s32 @!p0 $0x1BF5;
	p2 =	por !p2, p0  }
0x20: {  	[sflag:s8] =	ssyncset.s32 @!p0 $0xFFFFF086;
	s6 =	sadd.s32 @!p0 s3, s7;
	s7 =	simm.s32 @!p0 $0x108  }
0x21: {  	s3 =	sadd.s32 s3, s9;
	s6 =	sadd.s32 @!p0 $0x88, s6;
	s7 =	simm.s32 @p2 $0x1082  }
0x22: {  	[simem:s7], [sflag:s8] =	dma.local @!p0 [hbm:s6], $0xF7A  }
0x23: {  	s9 =	sor.u32 $0xD0000000, s2;
	s6 =	simm.s32 $0x108;
	_ =	swait.ge @!p0 [sflag:s8], $0x0  }
0x24: {  	s3 =	sadd.s32 $0x88, s3;
	s6 =	simm.s32 @!p1 $0x1082;
	[sflag:s4] =	ssyncset.s32 $0xFFFFF086  }
0x25: {  	[simem:s6], [sflag:s4] =	dma.local [hbm:s3], $0xF7A  }
0x26: {  	[smem:$0x3F9D] =	sst s1;
	(tag) =	ssettag s2;
	_ =	strace s9  }
0x27: {  	s1 =	sld [smem:$0x3FAD]  }
0x28: {  	s2 =	sld [smem:$0x3FAE]  }
0x29: {  	s4 =	sld [smem:$0x3FB0]  }
0x2a: {  	p0 =	seq.s32 s5, $0x0;
	s5 =	sld [smem:$0x3FB1]  }
0x2b: {  	s6 =	sld [smem:$0x3FB2]  }
0x2c: {  	s7 =	sld [smem:$0x3FB3]  }
0x2d: {  	s3 =	simm.s32 $0x108;
	s8 =	sld [smem:$0x3FB4]  }
0x2e: {  	s3 =	simm.s32 @!p0 $0x1082;
	s9 =	sld [smem:$0x3FB5]  }
0x2f: {  	lr =	sadd.s32 s0, s3;
	s0 =	sld [smem:$0x3FAC]  }
0x30: {  	s3 =	sld [smem:$0x3FAF]  }
0x31: {  	[smem:$0x3FB8] =	sst s10  }
0x32: {  	s10 =	sld [smem:$0x3FB6];
	_ =	sdelay $0x3  }
0x33: {  	p0 =	seq.s32 s10, $0x1;
	s10 =	sld [smem:$0x3FB8];
	_ =	sdelay $0x3  }
0x34: {  	[smem:$0x3FB8] =	sst s10  }
0x35: {  	s10 =	sld [smem:$0x3FB7];
	_ =	sdelay $0x3  }
0x36: {  	p1 =	seq.s32 s10, $0x1;
	s10 =	sld [smem:$0x3FB8];
	_ =	sdelay $0x3  }
0x37: {  	[smem:$0x3FB8] =	sst s10  }
0x38: {  	s10 =	sld [smem:$0x3FB9]  }
0x39: {  	_ = 	snop;
	(pc) =	sbr.ind lr, $3  }
0x3a: {  	_ = 	snop  }
0x3b: {  	_ = 	snop  }
0x3c: {  	p2 =	seq.s32 s10, $0x1;
	s10 =	sld [smem:$0x3FB8]  }
0x3d: {  	_ =	shalt  }
0x3e: {  	_ =	shalt  }
0x3f: {  	_ =	shalt  }
0x40: {  	_ =	shalt  }
0x41: {  	_ =	shalt  }
0x42: {  	_ =	shalt  }
0x43: {  	_ =	shalt  }
0x44: {  	_ =	shalt  }
0x45: {  	_ =	shalt  }
0x46: {  	_ =	shalt  }
0x47: {  	_ =	shalt  }
0x48: {  	_ =	shalt  }
0x49: {  	_ =	shalt  }
0x4a: {  	_ =	shalt  }
0x4b: {  	_ =	shalt  }
0x4c: {  	_ =	shalt  }
0x4d: {  	_ =	shalt  }
0x4e: {  	_ =	shalt  }
0x4f: {  	_ =	shalt  }
0x50: {  	_ =	shalt  }
0x51: {  	_ =	shalt  }
0x52: {  	_ =	shalt  }
0x53: {  	_ =	shalt  }
0x54: {  	_ =	shalt  }
0x55: {  	_ =	shalt  }
0x56: {  	_ =	shalt  }
0x57: {  	_ =	shalt  }
0x58: {  	_ =	shalt  }
0x59: {  	_ =	shalt  }
0x5a: {  	_ =	shalt  }
0x5b: {  	_ =	shalt  }
0x5c: {  	_ =	shalt  }
0x5d: {  	_ =	shalt  }
0x5e: {  	_ =	shalt  }
0x5f: {  	_ =	shalt  }
0x60: {  	_ =	shalt  }
0x61: {  	_ =	shalt  }
0x62: {  	_ =	shalt  }
0x63: {  	_ =	shalt  }
0x64: {  	_ =	shalt  }
0x65: {  	_ =	shalt  }
0x66: {  	_ =	shalt  }
0x67: {  	_ =	shalt  }
0x68: {  	_ =	shalt  }
0x69: {  	_ =	shalt  }
0x6a: {  	_ =	shalt  }
0x6b: {  	_ =	shalt  }
0x6c: {  	_ =	shalt  }
0x6d: {  	_ =	shalt  }
0x6e: {  	_ =	shalt  }
0x6f: {  	_ =	shalt  }
0x70: {  	_ =	shalt  }
0x71: {  	_ =	shalt  }
0x72: {  	_ =	shalt  }
0x73: {  	_ =	shalt  }
0x74: {  	_ =	shalt  }
0x75: {  	_ =	shalt  }
0x76: {  	_ =	shalt  }
0x77: {  	_ =	shalt  }
0x78: {  	_ =	shalt  }
0x79: {  	_ =	shalt  }
0x7a: {  	_ =	shalt  }
0x7b: {  	_ =	shalt  }
0x7c: {  	_ =	shalt  }
0x7d: {  	_ =	shalt  }
0x7e: {  	_ =	shalt  }
0x7f: {  	_ =	shalt  }
0x80: {  	_ =	shalt  }
0x81: {  	_ =	shalt  }
0x82: {  	_ =	shalt  }
0x83: {  	_ =	shalt  }
0x84: {  	_ =	shalt  }
0x85: {  	_ =	shalt  }
0x86: {  	_ =	shalt  }
0x87: {  	_ =	shalt  }
.Lfunc_end0:
.L_simem_size_0:
called_computation.1_lowered:
.L_overlay_start_0:
0x88: {  	s2 =	sld [smem:$0x3FD9]  }
0x89: {  	s3 =	sld [smem:$0x3FFE];
	_ =	sdelay $0x1  }
0x8a: {  	s1 =	srdreg.scid  }
0x8b: {  	s0 =	sand.u32 $0x1, s1  }
0x8c: {  	s17 =	sshll.u32 s0, $0xA;
	s2 =	sadd.s32 s3, s2  }
0x8d: {  	s2 =	sadd.s32 s2, s17  }
0x8e: {  	[smem:$0x3FC4] =	sst s2  }
0x8f: {  	_ = 	snop  }
0x90: {  	s2 =	sld [smem:$0x3FD0];
	(tm) =	ssettm $0x1  }
0x91: {  	s18 =	sld [smem:$0x3FFB];
	_ =	sdelay $0x3  }
0x92: {  	_ =	strace s18  }
0x93: {  	s3 =	sld [smem:$0x3FFC];
	_ =	sdelay $0x3  }
0x94: {  	_ =	strace s3  }
0x95: {  	s3 =	sld [smem:$0x3FFD];
	_ =	sdelay $0x3  }
0x96: {  	_ =	strace s3  }
0x97: {  	_ =	strace $0x8FFFFFFF  }
0x98: {  	s19 =	sld [smem:$0x3FDB];
	_ =	sdelay $0x1  }
0x99: {  	s4 =	simm.s32 $_scs_section_size  }
0x9a: {  	s5 =	simm.s32 $_size__tile_overlayer_lowered;
	s6 =	simm.s32 $_tile_overlayer_lowered  }
0x9b: {  	s22 =	simm.s32 $0x1BFF;
	s21 =	sshll.u32 s6, $0x1;
	s3 =	sadd.s32 s4, s19  }
0x9c: {  	s7 =	simm.s32 $0x0;
	s20 =	sshll.u32 s5, $0x1;
	s5 =	sadd.s32 s21, s3  }
0x9d: {  	[timem:s7], [sflag:s22] =	dma.local [hbm:s5], s20  }
0x9e: {  	_ =	swait.ge [sflag:s22], s20  }
0x9f: {  	s4 =	ssub.s32 $0x0, s20;
	[sflag:s22] =	ssyncset.done $0x0  }
0xa0: {  	[sflag:s22] =	ssyncadd.s32 s4;
	_ =	sdelay $0x1  }
0xa1: {  	s23 =	simm.s32 $0x1B8B  }
0xa2: {  	_ =	swait.ge [sflag:s23], $0x1  }
0xa3: {  	[sflag:s23] =	ssyncset.done $0x0  }
0xa4: {  	s25 =	simm.s32 $0x1B8E;
	s24 =	sld [smem:$0x3FFE];
	[sflag:s23] =	ssyncadd.s32 $0xFFFFFFFF  }
0xa5: {  	s26 =	simm.s32 $execute0_lowered;
	[smem:$0x3FD2] =	sst s25  }
0xa6: {  	s5 =	sshll.u32 s26, $0x1;
	_ =	strace $0x80000049;
	[dreg:$0x1] =	wrdreg $0xFFFFFFFF  }
0xa7: {  	s28 =	simm.s32 $_size_execute0_lowered;
	s3 =	sadd.s32 s3, s5;
	[dreg:$0x0] =	wrdreg $0x0  }
0xa8: {  	s5 =	sshll.u32 s28, $0x1;
	[dreg:$0x2] =	wrdreg s3  }
0xa9: {  	[dreg:$0x3] =	wrdreg s5  }
0xaa: {  	[dreg:$0x4] =	wrdreg $0xC0  }
0xab: {  	_ =	task [dreg:s7], $0x5FFFF  }
0xac: {  	[dreg:$0x1] =	wrdreg $0xFFFFFFFF  }
0xad: {  	[dreg:$0x0] =	wrdreg $0x60  }
0xae: {  	[dreg:$0x2] =	wrdreg s24  }
0xaf: {  	[dreg:$0x3] =	wrdreg s2  }
0xb0: {  	[dreg:$0x4] =	wrdreg $0x120000  }
0xb1: {  	[dreg:$0x5] =	wrdreg $0x9  }
0xb2: {  	_ =	task.clear_ibuf [dreg:s7], $0x6FFFF;
	_ =	strace $0x90000049  }
0xb3: {  	s29 =	simm.s32 $0x9;
	_ =	strace $0x8000004B  }
0xb4: {  	_ =	swait.ge [sflag:s29], $0x1  }
0xb5: {  	[sflag:s29] =	ssyncadd.s32 $0xFFFFFFFF  }
0xb6: {  	_ =	strace $0x9000004B  }
0xb7: {  	_ =	sfence  }
0xb8: {  	s30 =	sld [smem:$0x0];
	_ =	sdelay $0x2  }
0xb9: {  	s31 =	sshll.u32 s1, $0xD;
	s1 =	sshrl.u32 s1, $0x2  }
0xba: {  	s3 =	sand.u32 $0x4000, s31;
	s1 =	sadd.s32 s1, s30  }
0xbb: {  	s0 =	sor.u32 s3, s0;
	s1 =	sshll.u32 s1, $0x11  }
0xbc: {  	s0 =	sor.u32 s1, s0  }
0xbd: {  	s0 =	sadd.s32 $0x8F2B, s0  }
0xbe: {  	[sflag:s0] =	ssyncadd.remote.s32 $0x1  }
0xbf: {  	_ =	sfence.sel $0xFFFF  }
0xc0: {  	[dreg:$0x0] =	wrdreg $0xFFFFFFFF;
	(pc) =	sbr.abs _section_cstart, $3  }
0xc1: {  	[dreg:$0x1] =	wrdreg $0xFFFFFFFF  }
0xc2: {  	_ =	task.clear_ibuf [dreg:s7], $0x2FFFF;
	_ =	strace $0x9FFFFFFF  }
0xc3: {  	(tm) =	ssettm $0x7FFFFFFF  }
tec
execute0_lowered:
.L_overlay_start_1:
0x0: {  	(tag) =	ssettag $0x1  }
0x1: {  	s0 =	rddreg [dreg:$0x0]  }
0x2: {  	s1 =	rddreg [dreg:$0x1]  }
0x3: {  	s2 =	rddreg [dreg:$0x2];
	s12 =	stileid.u32  }
0x4: {  	s5 =	srdreg.scid;
	s3 =	simm.s32 $0x0;
	s14 =	simm.s32 $0x80  }
0x5: {  	s15 =	simm.s32 $0xA000;
	s16 =	simm.s32 $0xB000;
	s29 =	simm.s32 $0x11000  }
0x6: {  	s30 =	simm.s32 $0x1;
	s31 =	simm.s32 $0x2;
	s13 =	simm.s32 $0x5  }
0x7: {  	s17 =	simm.s32 $0x6;
	s28 =	simm.s32 $0x0;
	s4 =	smul.u32 $0xA00, s12  }
0x8: {  	s5 =	sand.u32 $0x1, s5;
	s6 =	smul.u32 $0x14000, s12;
	[smem:$0x7FF] =	sst s3  }
0x9: {  	s8 =	smul.u32 $0xA000, s12;
	s25 =	sshll.u32 s12, $0x6;
	s12 =	simm.s32 $0x9  }
0xa: {  	s7 =	sshll.u32 s5, $0x6;
	_ =	strace $0x8000004A;
	s18 =	smul.u32 $0xA0000, s5  }
0xb: {  	s5 =	ssub.s32 $0x2, s5;
	s6 =	sor.u32 s7, s6;
	s9 =	sadd.s32 s4, s0  }
0xc: {  	s20 =	sshrl.u32 s5, $0x1;
	s22 =	sshrl.u32 s8, $0x1;
	s19 =	sshrl.u32 s6, $0x4  }
0xd: {  	s21 =	sadd.s32 s8, s18;
	s10 =	ssub.s32 s5, s20;
	s11 =	sadd.s32 s22, s2  }
0xe: {  	s5 =	sor.u32 $0x1C09, s25;
	s6 =	sadd.s32 $0x1A00, s9;
	s26 =	sshrl.u32 s18, $0x4  }
0xf: {  	s7 =	sadd.s32 $0xBA00, s9;
	s18 =	simm.s32 $0xC000;
	s20 =	simm.s32 $0xD000  }
0x10: {  	s22 =	simm.s32 $0xE000;
	s0 =	sadd.s32 s19, s0;
	s23 =	sshrl.u32 s21, $0x4  }
0x11: {  	s8 =	sadd.s32 s1, s26;
	s10 =	smax.u32 s10, $0x1;
	s11 =	sshrl.u32 s11, $0x3  }
0x12: {  	s26 =	simm.s32 $0x10000;
	s19 =	simm.s32 $0x7;
	s21 =	simm.s32 $0x8  }
0x13: {  	s24 =	sadd.s32 s1, s23;
	s9 =	sadd.s32 $0x15A00, s0;
	s0 =	simm.s32 $0x3  }
0x14: {  	s1 =	simm.s32 $0x4;
	[dreg:$0x4] =	wrdreg s24;
	s24 =	simm.s32 $0xF000  }
.LBB2_1:
0x15: {  	s4 =	rddreg [dreg:$0x4]  }
0x16: {  	[spmem:s11], [sflag:s5] =	dma.local [hbm:s4], $0xA00  }
0x17: {  	_ =	swait.ge [sflag:s12], $0xA00  }
0x18: {  	[sflag:s12] =	ssyncset.done $0x0  }
0x19: {  	[sflag:s12] =	ssyncadd.s32 $0xFFFFF600  }
0x1a: {  	[tilespmem:s3], [sflag:$0x9] =	stream.linear.gather [hbm4b:s6+s3], $0x5000, $0x38;
	[tilespmem:$0x17000] =	vst v63  }
0x1b: {  	_ =	swait.ge [sflag:s12], $0x5000  }
0x1c: {  	[sflag:s12] =	ssyncset.done $0x0  }
0x1d: {  	s25 =	simm.s32 $0x5000;
	[sflag:s12] =	ssyncadd.s32 $0xFFFFB000  }
0x1e: {  	[tilespmem:s25], [sflag:$0x9] =	stream.linear.gather [hbm4b:s7+s3], $0x5000, $0x38;
	[tilespmem:$0x17000] =	vst v63  }
0x1f: {  	_ =	swait.ge [sflag:s12], $0x5000  }
0x20: {  	[sflag:s12] =	ssyncset.done $0x0  }
0x21: {  	[sflag:s12] =	ssyncadd.s32 $0xFFFFB000  }
0x22: {  	[bflag:$0x0] =	sbarrier.arrive $0xFFFF  }
0x23: {  	[tilespmem:s15], [sflag:$0x1] =	stream.indirect.gather [hbm4b:s8+s14], $0x20, s3, s14, $0xb8;
	[tilespmem:$0x17000] =	vst v63  }
0x24: {  	_ = 	snop  }
0x25: {  	[tilespmem:s16], [sflag:$0x2] =	stream.indirect.gather [hbm4b:s8+s14], $0x20, s14, s14, $0xb8;
	[tilespmem:$0x17000] =	vst v63  }
0x26: {  	s23 =	simm.s32 $0x100  }
0x27: {  	[tilespmem:s18], [sflag:$0x3] =	stream.indirect.gather [hbm4b:s8+s14], $0x20, s23, s14, $0xb8;
	[tilespmem:$0x17000] =	vst v63  }
0x28: {  	s25 =	simm.s32 $0x180  }
0x29: {  	[tilespmem:s20], [sflag:$0x4] =	stream.indirect.gather [hbm4b:s8+s14], $0x20, s25, s14, $0xb8;
	[tilespmem:$0x17000] =	vst v63  }
0x2a: {  	s23 =	simm.s32 $0x200  }
0x2b: {  	[tilespmem:s22], [sflag:$0x5] =	stream.indirect.gather [hbm4b:s8+s14], $0x20, s23, s14, $0xb8;
	[tilespmem:$0x17000] =	vst v63  }
0x2c: {  	s25 =	simm.s32 $0x280  }
0x2d: {  	[tilespmem:s24], [sflag:$0x6] =	stream.indirect.gather [hbm4b:s8+s14], $0x20, s25, s14, $0xb8;
	[tilespmem:$0x17000] =	vst v63  }
0x2e: {  	s23 =	simm.s32 $0x300  }
0x2f: {  	[tilespmem:s26], [sflag:$0x7] =	stream.indirect.gather [hbm4b:s8+s14], $0x20, s23, s14, $0xb8;
	[tilespmem:$0x17000] =	vst v63  }
0x30: {  	s25 =	simm.s32 $0x380  }
0x31: {  	[tilespmem:s29], [sflag:$0x8] =	stream.indirect.gather [hbm4b:s8+s14], $0x20, s25, s14, $0xb8;
	[tilespmem:$0x17000] =	vst v63  }
0x32: {  	_ =	swait.ge [sflag:s30], $0x1000  }
0x33: {  	[sflag:s30] =	ssyncset.done $0x0  }
0x34: {  	s23 =	simm.s32 $0x5000;
	[sflag:s30] =	ssyncadd.s32 $0xFFFFF000  }
0x35: {  	[spmem:s2] =	stream.indirect.scatter.add.bf16 [tilespmem:s15], [sflag:$0x9], $0x20, s23, s14, $0xb8;
	[tilespmem:$0x17000] =	vst v63  }
0x36: {  	_ =	swait.ge [sflag:s12], $0x1000  }
0x37: {  	[sflag:s12] =	ssyncset.done $0x0  }
0x38: {  	s4 =	simm.s32 $0x400;
	[sflag:s12] =	ssyncadd.s32 $0xFFFFF000  }
0x39: {  	[tilespmem:s15], [sflag:$0x1] =	stream.indirect.gather [hbm4b:s8+s14], $0x20, s4, s14, $0xb8;
	[tilespmem:$0x17000] =	vst v63  }
0x3a: {  	_ =	swait.ge [sflag:s31], $0x1000  }
0x3b: {  	[sflag:s31] =	ssyncset.done $0x0  }
0x3c: {  	s25 =	simm.s32 $0x5080;
	[sflag:s31] =	ssyncadd.s32 $0xFFFFF000  }
0x3d: {  	[spmem:s2] =	stream.indirect.scatter.add.bf16 [tilespmem:s16], [sflag:$0x9], $0x20, s25, s14, $0xb8;
	[tilespmem:$0x17000] =	vst v63  }
0x3e: {  	_ =	swait.ge [sflag:s12], $0x1000  }
0x3f: {  	[sflag:s12] =	ssyncset.done $0x0  }
0x40: {  	s4 =	simm.s32 $0x480;
	[sflag:s12] =	ssyncadd.s32 $0xFFFFF000  }
0x41: {  	[tilespmem:s16], [sflag:$0x2] =	stream.indirect.gather [hbm4b:s8+s14], $0x20, s4, s14, $0xb8;
	[tilespmem:$0x17000] =	vst v63  }
0x42: {  	_ =	swait.ge [sflag:s0], $0x1000  }
0x43: {  	[sflag:s0] =	ssyncset.done $0x0  }
0x44: {  	s25 =	simm.s32 $0x5100;
	[sflag:s0] =	ssyncadd.s32 $0xFFFFF000  }
0x45: {  	[spmem:s2] =	stream.indirect.scatter.add.bf16 [tilespmem:s18], [sflag:$0x9], $0x20, s25, s14, $0xb8;
	[tilespmem:$0x17000] =	vst v63  }
0x46: {  	_ =	swait.ge [sflag:s12], $0x1000  }
0x47: {  	[sflag:s12] =	ssyncset.done $0x0  }
0x48: {  	s4 =	simm.s32 $0x500;
	[sflag:s12] =	ssyncadd.s32 $0xFFFFF000  }
0x49: {  	[tilespmem:s18], [sflag:$0x3] =	stream.indirect.gather [hbm4b:s8+s14], $0x20, s4, s14, $0xb8;
	[tilespmem:$0x17000] =	vst v63  }
0x4a: {  	_ =	swait.ge [sflag:s1], $0x1000  }
0x4b: {  	[sflag:s1] =	ssyncset.done $0x0  }
0x4c: {  	s25 =	simm.s32 $0x5180;
	[sflag:s1] =	ssyncadd.s32 $0xFFFFF000  }
0x4d: {  	[spmem:s2] =	stream.indirect.scatter.add.bf16 [tilespmem:s20], [sflag:$0x9], $0x20, s25, s14, $0xb8;
	[tilespmem:$0x17000] =	vst v63  }
0x4e: {  	_ =	swait.ge [sflag:s12], $0x1000  }
0x4f: {  	[sflag:s12] =	ssyncset.done $0x0  }
0x50: {  	s4 =	simm.s32 $0x580;
	[sflag:s12] =	ssyncadd.s32 $0xFFFFF000  }
0x51: {  	[tilespmem:s20], [sflag:$0x4] =	stream.indirect.gather [hbm4b:s8+s14], $0x20, s4, s14, $0xb8;
	[tilespmem:$0x17000] =	vst v63  }
0x52: {  	_ =	swait.ge [sflag:s13], $0x1000  }
0x53: {  	[sflag:s13] =	ssyncset.done $0x0  }
0x54: {  	s25 =	simm.s32 $0x5200;
	[sflag:s13] =	ssyncadd.s32 $0xFFFFF000  }
0x55: {  	[spmem:s2] =	stream.indirect.scatter.add.bf16 [tilespmem:s22], [sflag:$0x9], $0x20, s25, s14, $0xb8;
	[tilespmem:$0x17000] =	vst v63  }
0x56: {  	_ =	swait.ge [sflag:s12], $0x1000  }
0x57: {  	[sflag:s12] =	ssyncset.done $0x0  }
0x58: {  	s4 =	simm.s32 $0x600;
	[sflag:s12] =	ssyncadd.s32 $0xFFFFF000  }
0x59: {  	[tilespmem:s22], [sflag:$0x5] =	stream.indirect.gather [hbm4b:s8+s14], $0x20, s4, s14, $0xb8;
	[tilespmem:$0x17000] =	vst v63  }
0x5a: {  	_ =	swait.ge [sflag:s17], $0x1000  }
0x5b: {  	[sflag:s17] =	ssyncset.done $0x0  }
0x5c: {  	s25 =	simm.s32 $0x5280;
	[sflag:s17] =	ssyncadd.s32 $0xFFFFF000  }
0x5d: {  	[spmem:s2] =	stream.indirect.scatter.add.bf16 [tilespmem:s24], [sflag:$0x9], $0x20, s25, s14, $0xb8;
	[tilespmem:$0x17000] =	vst v63  }
0x5e: {  	_ =	swait.ge [sflag:s12], $0x1000  }
0x5f: {  	[sflag:s12] =	ssyncset.done $0x0  }
0x60: {  	s4 =	simm.s32 $0x680;
	[sflag:s12] =	ssyncadd.s32 $0xFFFFF000  }
0x61: {  	[tilespmem:s24], [sflag:$0x6] =	stream.indirect.gather [hbm4b:s8+s14], $0x20, s4, s14, $0xb8;
	[tilespmem:$0x17000] =	vst v63  }
0x62: {  	_ =	swait.ge [sflag:s19], $0x1000  }
0x63: {  	[sflag:s19] =	ssyncset.done $0x0  }
0x64: {  	s25 =	simm.s32 $0x5300;
	[sflag:s19] =	ssyncadd.s32 $0xFFFFF000  }
0x65: {  	[spmem:s2] =	stream.indirect.scatter.add.bf16 [tilespmem:s26], [sflag:$0x9], $0x20, s25, s14, $0xb8;
	[tilespmem:$0x17000] =	vst v63  }
0x66: {  	_ =	swait.ge [sflag:s12], $0x1000  }
0x67: {  	[sflag:s12] =	ssyncset.done $0x0  }
0x68: {  	s4 =	simm.s32 $0x700;
	[sflag:s12] =	ssyncadd.s32 $0xFFFFF000  }
0x69: {  	[tilespmem:s26], [sflag:$0x7] =	stream.indirect.gather [hbm4b:s8+s14], $0x20, s4, s14, $0xb8;
	[tilespmem:$0x17000] =	vst v63  }
0x6a: {  	_ =	swait.ge [sflag:s21], $0x1000  }
0x6b: {  	[sflag:s21] =	ssyncset.done $0x0  }
0x6c: {  	s25 =	simm.s32 $0x5380;
	[sflag:s21] =	ssyncadd.s32 $0xFFFFF000  }
0x6d: {  	[spmem:s2] =	stream.indirect.scatter.add.bf16 [tilespmem:s29], [sflag:$0x9], $0x20, s25, s14, $0xb8;
	[tilespmem:$0x17000] =	vst v63  }
0x6e: {  	_ =	swait.ge [sflag:s12], $0x1000  }
0x6f: {  	[sflag:s12] =	ssyncset.done $0x0  }
0x70: {  	s23 =	simm.s32 $0x1000;
	s25 =	simm.s32 $0x780;
	[sflag:s12] =	ssyncadd.s32 $0xFFFFF000  }
.LBB2_2:
0x71: {  	[tilespmem:s29], [sflag:$0x8] =	stream.indirect.gather [hbm4b:s8+s14], $0x20, s25, s14, $0xb8;
	[tilespmem:$0x17000] =	vst v63  }
0x72: {  	s25 =	smov.u32 s23  }
0x73: {  	p0 =	sne.s32 s23, $0x12000;
	s23 =	sadd.s32 $0x1000, s23;
	_ =	swait.ge [sflag:s30], $0x1000  }
0x74: {  	s25 =	sshra.s32 s25, $0x2;
	[sflag:s30] =	ssyncset.done $0x0  }
0x75: {  	s4 =	sadd.s32 $0x5000, s25;
	[sflag:s30] =	ssyncadd.s32 $0xFFFFF000  }
0x76: {  	[spmem:s2] =	stream.indirect.scatter.add.bf16 [tilespmem:s15], [sflag:$0x9], $0x20, s4, s14, $0xb8;
	[tilespmem:$0x17000] =	vst v63  }
0x77: {  	_ =	swait.ge [sflag:s12], $0x1000  }
0x78: {  	[sflag:s12] =	ssyncset.done $0x0  }
0x79: {  	s4 =	sadd.s32 $0x400, s25;
	[sflag:s12] =	ssyncadd.s32 $0xFFFFF000  }
0x7a: {  	[tilespmem:s15], [sflag:$0x1] =	stream.indirect.gather [hbm4b:s8+s14], $0x20, s4, s14, $0xb8;
	[tilespmem:$0x17000] =	vst v63  }
0x7b: {  	_ =	swait.ge [sflag:s31], $0x1000  }
0x7c: {  	[sflag:s31] =	ssyncset.done $0x0  }
0x7d: {  	s4 =	sadd.s32 $0x5080, s25;
	[sflag:s31] =	ssyncadd.s32 $0xFFFFF000  }
0x7e: {  	[spmem:s2] =	stream.indirect.scatter.add.bf16 [tilespmem:s16], [sflag:$0x9], $0x20, s4, s14, $0xb8;
	[tilespmem:$0x17000] =	vst v63  }
0x7f: {  	_ =	swait.ge [sflag:s12], $0x1000  }
0x80: {  	[sflag:s12] =	ssyncset.done $0x0  }
0x81: {  	s4 =	sadd.s32 $0x480, s25;
	[sflag:s12] =	ssyncadd.s32 $0xFFFFF000  }
0x82: {  	[tilespmem:s16], [sflag:$0x2] =	stream.indirect.gather [hbm4b:s8+s14], $0x20, s4, s14, $0xb8;
	[tilespmem:$0x17000] =	vst v63  }
0x83: {  	_ =	swait.ge [sflag:s0], $0x1000  }
0x84: {  	[sflag:s0] =	ssyncset.done $0x0  }
0x85: {  	s4 =	sadd.s32 $0x5100, s25;
	[sflag:s0] =	ssyncadd.s32 $0xFFFFF000  }
0x86: {  	[spmem:s2] =	stream.indirect.scatter.add.bf16 [tilespmem:s18], [sflag:$0x9], $0x20, s4, s14, $0xb8;
	[tilespmem:$0x17000] =	vst v63  }
0x87: {  	_ =	swait.ge [sflag:s12], $0x1000  }
0x88: {  	[sflag:s12] =	ssyncset.done $0x0  }
0x89: {  	s4 =	sadd.s32 $0x500, s25;
	[sflag:s12] =	ssyncadd.s32 $0xFFFFF000  }
0x8a: {  	[tilespmem:s18], [sflag:$0x3] =	stream.indirect.gather [hbm4b:s8+s14], $0x20, s4, s14, $0xb8;
	[tilespmem:$0x17000] =	vst v63  }
0x8b: {  	_ =	swait.ge [sflag:s1], $0x1000  }
0x8c: {  	[sflag:s1] =	ssyncset.done $0x0  }
0x8d: {  	s4 =	sadd.s32 $0x5180, s25;
	[sflag:s1] =	ssyncadd.s32 $0xFFFFF000  }
0x8e: {  	[spmem:s2] =	stream.indirect.scatter.add.bf16 [tilespmem:s20], [sflag:$0x9], $0x20, s4, s14, $0xb8;
	[tilespmem:$0x17000] =	vst v63  }
0x8f: {  	_ =	swait.ge [sflag:s12], $0x1000  }
0x90: {  	[sflag:s12] =	ssyncset.done $0x0  }
0x91: {  	s4 =	sadd.s32 $0x580, s25;
	[sflag:s12] =	ssyncadd.s32 $0xFFFFF000  }
0x92: {  	[tilespmem:s20], [sflag:$0x4] =	stream.indirect.gather [hbm4b:s8+s14], $0x20, s4, s14, $0xb8;
	[tilespmem:$0x17000] =	vst v63  }
0x93: {  	_ =	swait.ge [sflag:s13], $0x1000  }
0x94: {  	[sflag:s13] =	ssyncset.done $0x0  }
0x95: {  	s4 =	sadd.s32 $0x5200, s25;
	[sflag:s13] =	ssyncadd.s32 $0xFFFFF000  }
0x96: {  	[spmem:s2] =	stream.indirect.scatter.add.bf16 [tilespmem:s22], [sflag:$0x9], $0x20, s4, s14, $0xb8;
	[tilespmem:$0x17000] =	vst v63  }
0x97: {  	_ =	swait.ge [sflag:s12], $0x1000  }
0x98: {  	[sflag:s12] =	ssyncset.done $0x0  }
0x99: {  	s4 =	sadd.s32 $0x600, s25;
	[sflag:s12] =	ssyncadd.s32 $0xFFFFF000  }
0x9a: {  	[tilespmem:s22], [sflag:$0x5] =	stream.indirect.gather [hbm4b:s8+s14], $0x20, s4, s14, $0xb8;
	[tilespmem:$0x17000] =	vst v63  }
0x9b: {  	_ =	swait.ge [sflag:s17], $0x1000  }
0x9c: {  	[sflag:s17] =	ssyncset.done $0x0  }
0x9d: {  	s4 =	sadd.s32 $0x5280, s25;
	[sflag:s17] =	ssyncadd.s32 $0xFFFFF000  }
0x9e: {  	[spmem:s2] =	stream.indirect.scatter.add.bf16 [tilespmem:s24], [sflag:$0x9], $0x20, s4, s14, $0xb8;
	[tilespmem:$0x17000] =	vst v63  }
0x9f: {  	_ =	swait.ge [sflag:s12], $0x1000  }
0xa0: {  	[sflag:s12] =	ssyncset.done $0x0  }
0xa1: {  	s4 =	sadd.s32 $0x680, s25;
	[sflag:s12] =	ssyncadd.s32 $0xFFFFF000  }
0xa2: {  	[tilespmem:s24], [sflag:$0x6] =	stream.indirect.gather [hbm4b:s8+s14], $0x20, s4, s14, $0xb8;
	[tilespmem:$0x17000] =	vst v63  }
0xa3: {  	_ =	swait.ge [sflag:s19], $0x1000  }
0xa4: {  	[sflag:s19] =	ssyncset.done $0x0  }
0xa5: {  	s4 =	sadd.s32 $0x5300, s25;
	[sflag:s19] =	ssyncadd.s32 $0xFFFFF000  }
0xa6: {  	[spmem:s2] =	stream.indirect.scatter.add.bf16 [tilespmem:s26], [sflag:$0x9], $0x20, s4, s14, $0xb8;
	[tilespmem:$0x17000] =	vst v63  }
0xa7: {  	_ =	swait.ge [sflag:s12], $0x1000  }
0xa8: {  	[sflag:s12] =	ssyncset.done $0x0  }
0xa9: {  	s4 =	sadd.s32 $0x700, s25;
	[sflag:s12] =	ssyncadd.s32 $0xFFFFF000  }
0xaa: {  	[tilespmem:s26], [sflag:$0x7] =	stream.indirect.gather [hbm4b:s8+s14], $0x20, s4, s14, $0xb8;
	[tilespmem:$0x17000] =	vst v63  }
0xab: {  	_ =	swait.ge [sflag:s21], $0x1000  }
0xac: {  	[sflag:s21] =	ssyncset.done $0x0  }
.Ltmp0:
0xad: {  	s4 =	sadd.s32 $0x5380, s25;
	[sflag:s21] =	ssyncadd.s32 $0xFFFFF000;
	(pc) =	sbr.rel @p0 .LBB2_2-.Ltmp0, $4  }
0xae: {  	[spmem:s2] =	stream.indirect.scatter.add.bf16 [tilespmem:s29], [sflag:$0x9], $0x20, s4, s14, $0xb8;
	[tilespmem:$0x17000] =	vst v63  }
0xaf: {  	_ =	swait.ge [sflag:s12], $0x1000  }
0xb0: {  	[sflag:s12] =	ssyncset.done $0x0  }
0xb1: {  	s25 =	sadd.s32 $0x780, s25;
	[sflag:s12] =	ssyncadd.s32 $0xFFFFF000  }
0xb2: {  	[tilespmem:s29], [sflag:$0x8] =	stream.indirect.gather [hbm4b:s8+s14], $0x20, s25, s14, $0xb8;
	[tilespmem:$0x17000] =	vst v63  }
0xb3: {  	_ =	swait.ge [sflag:s30], $0x1000  }
0xb4: {  	[sflag:s30] =	ssyncset.done $0x0  }
0xb5: {  	s4 =	simm.s32 $0x9C00;
	[sflag:s30] =	ssyncadd.s32 $0xFFFFF000  }
0xb6: {  	[spmem:s2] =	stream.indirect.scatter.add.bf16 [tilespmem:s15], [sflag:$0x9], $0x20, s4, s14, $0xb8;
	[tilespmem:$0x17000] =	vst v63  }
0xb7: {  	_ =	swait.ge [sflag:s12], $0x1000  }
0xb8: {  	[sflag:s12] =	ssyncset.done $0x0  }
0xb9: {  	[sflag:s12] =	ssyncadd.s32 $0xFFFFF000  }
0xba: {  	_ =	swait.ge [sflag:s31], $0x1000  }
0xbb: {  	[sflag:s31] =	ssyncset.done $0x0  }
0xbc: {  	s25 =	simm.s32 $0x9C80;
	[sflag:s31] =	ssyncadd.s32 $0xFFFFF000  }
0xbd: {  	[spmem:s2] =	stream.indirect.scatter.add.bf16 [tilespmem:s16], [sflag:$0x9], $0x20, s25, s14, $0xb8;
	[tilespmem:$0x17000] =	vst v63  }
0xbe: {  	_ =	swait.ge [sflag:s12], $0x1000  }
0xbf: {  	[sflag:s12] =	ssyncset.done $0x0  }
0xc0: {  	[sflag:s12] =	ssyncadd.s32 $0xFFFFF000  }
0xc1: {  	_ =	swait.ge [sflag:s0], $0x1000  }
0xc2: {  	[sflag:s0] =	ssyncset.done $0x0  }
0xc3: {  	s23 =	simm.s32 $0x9D00;
	[sflag:s0] =	ssyncadd.s32 $0xFFFFF000  }
0xc4: {  	[spmem:s2] =	stream.indirect.scatter.add.bf16 [tilespmem:s18], [sflag:$0x9], $0x20, s23, s14, $0xb8;
	[tilespmem:$0x17000] =	vst v63  }
0xc5: {  	_ =	swait.ge [sflag:s12], $0x1000  }
0xc6: {  	[sflag:s12] =	ssyncset.done $0x0  }
0xc7: {  	[sflag:s12] =	ssyncadd.s32 $0xFFFFF000  }
0xc8: {  	_ =	swait.ge [sflag:s1], $0x1000  }
0xc9: {  	[sflag:s1] =	ssyncset.done $0x0  }
0xca: {  	s25 =	simm.s32 $0x9D80;
	[sflag:s1] =	ssyncadd.s32 $0xFFFFF000  }
0xcb: {  	[spmem:s2] =	stream.indirect.scatter.add.bf16 [tilespmem:s20], [sflag:$0x9], $0x20, s25, s14, $0xb8;
	[tilespmem:$0x17000] =	vst v63  }
0xcc: {  	_ =	swait.ge [sflag:s12], $0x1000  }
0xcd: {  	[sflag:s12] =	ssyncset.done $0x0  }
0xce: {  	[sflag:s12] =	ssyncadd.s32 $0xFFFFF000  }
0xcf: {  	_ =	swait.ge [sflag:s13], $0x1000  }
0xd0: {  	[sflag:s13] =	ssyncset.done $0x0  }
0xd1: {  	s23 =	simm.s32 $0x9E00;
	[sflag:s13] =	ssyncadd.s32 $0xFFFFF000  }
0xd2: {  	[spmem:s2] =	stream.indirect.scatter.add.bf16 [tilespmem:s22], [sflag:$0x9], $0x20, s23, s14, $0xb8;
	[tilespmem:$0x17000] =	vst v63  }
0xd3: {  	_ =	swait.ge [sflag:s12], $0x1000  }
0xd4: {  	[sflag:s12] =	ssyncset.done $0x0  }
0xd5: {  	[sflag:s12] =	ssyncadd.s32 $0xFFFFF000  }
0xd6: {  	_ =	swait.ge [sflag:s17], $0x1000  }
0xd7: {  	[sflag:s17] =	ssyncset.done $0x0  }
0xd8: {  	s25 =	simm.s32 $0x9E80;
	[sflag:s17] =	ssyncadd.s32 $0xFFFFF000  }
0xd9: {  	[spmem:s2] =	stream.indirect.scatter.add.bf16 [tilespmem:s24], [sflag:$0x9], $0x20, s25, s14, $0xb8;
	[tilespmem:$0x17000] =	vst v63  }
0xda: {  	_ =	swait.ge [sflag:s12], $0x1000  }
0xdb: {  	[sflag:s12] =	ssyncset.done $0x0  }
0xdc: {  	[sflag:s12] =	ssyncadd.s32 $0xFFFFF000  }
0xdd: {  	_ =	swait.ge [sflag:s19], $0x1000  }
0xde: {  	[sflag:s19] =	ssyncset.done $0x0  }
0xdf: {  	s23 =	simm.s32 $0x9F00;
	[sflag:s19] =	ssyncadd.s32 $0xFFFFF000  }
0xe0: {  	[spmem:s2] =	stream.indirect.scatter.add.bf16 [tilespmem:s26], [sflag:$0x9], $0x20, s23, s14, $0xb8;
	[tilespmem:$0x17000] =	vst v63  }
0xe1: {  	_ =	swait.ge [sflag:s12], $0x1000  }
0xe2: {  	[sflag:s12] =	ssyncset.done $0x0  }
0xe3: {  	[sflag:s12] =	ssyncadd.s32 $0xFFFFF000  }
0xe4: {  	_ =	swait.ge [sflag:s21], $0x1000  }
0xe5: {  	[sflag:s21] =	ssyncset.done $0x0  }
0xe6: {  	s25 =	simm.s32 $0x9F80;
	[sflag:s21] =	ssyncadd.s32 $0xFFFFF000  }
0xe7: {  	[spmem:s2] =	stream.indirect.scatter.add.bf16 [tilespmem:s29], [sflag:$0x9], $0x20, s25, s14, $0xb8;
	[tilespmem:$0x17000] =	vst v63  }
0xe8: {  	_ =	swait.ge [sflag:s12], $0x1000  }
0xe9: {  	s28 =	sadd.s32 $0x1, s28;
	[sflag:s12] =	ssyncset.done $0x0  }
0xea: {  	p0 =	sne.s32 s28, s10;
	[sflag:s12] =	ssyncadd.s32 $0xFFFFF000  }
.Ltmp1:
0xeb: {  	[bflag:$0x0] =	sbarrier.arrive $0xFFFF;
	(pc) =	sbr.rel @p0 .LBB2_1-.Ltmp1, $4  }
0xec: {  	[hbm:s9@s21], [sflag:s5] =	dma.strided [spmem:s11@s1], $0xA00, s30, $0x4   }
0xed: {  	_ =	swait.ge [sflag:s12], $0xA00  }
0xee: {  	[sflag:s12] =	ssyncset.done $0x0  }
0xef: {  	[sflag:s12] =	ssyncadd.s32 $0xFFFFF600  }
0xf0: {  	_ =	sfence.sel $0x180000  }
0xf1: {  	[bflag:$0x0] =	sbarrier.arrive $0xFFFF  }
0xf2: {  	_ =	strace $0x9000004A  }
0xf3: {  	s0 =	stileid.u32;
	[bflag:$0x2] =	sbarrier.arrive $0xFFFF  }
0xf4: {  	p0 =	sne.s32 s0, $0x0;
	s0 =	rddreg [dreg:$0x3]  }
0xf5: {  	s0 =	sadd.s32 @!p0 $0x100000, s0  }
0xf6: {  	[sflag:s0] =	ssyncadd.tile.s32 @!p0 $0x1;
	_ =	shalt  }
.Lfunc_end2:
_tile_overlayer_lowered:
.L_overlay_start_2:
0xf7: {  	(tag) =	ssettag $0x2  }
0xf8: {  	s0 =	rddreg [dreg:$0x0];
	s2 =	stileid.u32  }
0xf9: {  	s1 =	rddreg [dreg:$0x1];
	p0 =	sne.s32 s2, $0x0  }
0xfa: {  	s3 =	rddreg [dreg:$0x2];
	[bflag:$0x3] =	sbarrier.arrive $0xFFFF;
	s2 =	simm.s32 @!p0 $0x1C09  }
0xfb: {  	[timem:s3], [sflag:s2] =	dma.local @!p0 [hbm:s0], s1  }
0xfc: {  	s0 =	simm.s32 @!p0 $0x9  }
0xfd: {  	_ =	swait.ge @!p0 [sflag:s0], s1  }
0xfe: {  	s1 =	ssub.s32 @!p0 $0x0, s1;
	[sflag:s0] =	ssyncset.done @!p0 $0x0  }
0xff: {  	[sflag:s0] =	ssyncadd.s32 @!p0 s1  }
0x100: {  	[bflag:$0x3] =	sbarrier.arrive $0xFFFF  }
0x101: {  	_ =	shalt  }

</sc_bundles>
